<compile_context>
chip_gen: v7x
topology: tpu7x:2x2x1
jax: 0.10.2.dev20260603
libtpu: 0.0.44.dev20260713+nightly
codegen_flags: <defaults>
</compile_context>

<pallas_src>
import functools

import jax
import jax.numpy as jnp
from jax import lax
from jax.experimental import pallas as pl
from jax.experimental.pallas import tpu as pltpu
from jax.experimental.pallas import tpu_sc as plsc

N_USER = 2000
N_ITEM = 8000
EMBED_DIM = 128
N_EDGES = 320000
ALPHA0 = 1.0 / 3.0

NC, NS = 2, 16
NW = NC * NS

U_PAD = 2048
I_PAD = 8192
TAG_PAD = 1024
TE_PAD = 2048
TBL_ROWS = U_PAD + I_PAD
U_PER_W = U_PAD // NW
I_PER_W = I_PAD // NW

E_PAD = 327680
E_PER_W = E_PAD // NW
EC = 128
CHUNKS = E_PER_W // EC
GROUPS = EC // 16
E_CHUNK = 128
TBL_W = EMBED_DIM // 2


def _worker_id():
    return lax.axis_index("c") * NS + lax.axis_index("s")


def _build_table_body(user_ws, dd_idx, dd_ws, item_ws, tag_idx, tag_ws,
                      te_idx, te_ws, bc_idx, bc_ws, table,
                      tag_sh, te_sh, bc_sh, dd_sh,
                      uidx_v, iidx_v, ubuf, ibuf, pbuf, sem):
    w = _worker_id()
    s = lax.axis_index("s")
    t0 = s * (TAG_PAD // NS)
    pltpu.sync_copy(tag_ws.at[pl.ds(t0, TAG_PAD // NS)],
                    tag_sh.at[pl.ds(t0, TAG_PAD // NS)])
    e0 = s * (TE_PAD // NS)
    pltpu.sync_copy(te_ws.at[pl.ds(e0, TE_PAD // NS)],
                    te_sh.at[pl.ds(e0, TE_PAD // NS)])

    @pl.when(s == 0)
    def _():
        pltpu.sync_copy(bc_ws, bc_sh)
        pltpu.sync_copy(dd_ws, dd_sh)

    plsc.subcore_barrier()

    def pack_rows(buf, nrows):
        def prow(r, _):
            for j in range(4):
                a = buf[r, pl.ds(32 * j, 16)]
                b = buf[r, pl.ds(32 * j + 16, 16)]
                word = plsc.bitcast(
                    plsc.pack(a, b, format=plsc.PackFormat.INTERLEAVED,
                              preferred_element_type=jnp.bfloat16),
                    jnp.int32)
                pbuf[r, pl.ds(16 * j, 16)] = word
            return 0
        lax.fori_loop(0, nrows, prow, 0)

    u0 = w * U_PER_W
    pltpu.sync_copy(user_ws.at[pl.ds(u0, U_PER_W)], ubuf)
    pltpu.sync_copy(dd_idx.at[pl.ds(u0, U_PER_W)], uidx_v)
    pltpu.async_copy(dd_sh.at[uidx_v], ubuf, sem, add=True).wait()
    pack_rows(ubuf, U_PER_W)
    pltpu.sync_copy(pbuf.at[pl.ds(0, U_PER_W)], table.at[pl.ds(u0, U_PER_W)])
    for sub in range(2):
        r0 = w * I_PER_W + sub * E_CHUNK
        pltpu.sync_copy(item_ws.at[pl.ds(r0, E_CHUNK)], ibuf)
        pltpu.sync_copy(tag_idx.at[pl.ds(r0, E_CHUNK)], iidx_v)
        pltpu.async_copy(tag_sh.at[iidx_v], ibuf, sem, add=True).wait()
        pltpu.sync_copy(te_idx.at[pl.ds(r0, E_CHUNK)], iidx_v)
        pltpu.async_copy(te_sh.at[iidx_v], ibuf, sem, add=True).wait()
        pltpu.sync_copy(bc_idx.at[pl.ds(r0, E_CHUNK)], iidx_v)
        pltpu.async_copy(bc_sh.at[iidx_v], ibuf, sem, add=True).wait()
        pack_rows(ibuf, E_CHUNK)
        pltpu.sync_copy(pbuf, table.at[pl.ds(U_PAD + r0, E_CHUNK)])


def _scores_body(table, eidx_h, scores_h,
                 shared_tbl, idx_v, srows, drows, scores_v, psum_v,
                 sem_s0, sem_s1, sem_d0, sem_d1):
    w = _worker_id()
    sems = ((sem_s0, sem_d0), (sem_s1, sem_d1))

    s = lax.axis_index("s")
    r0 = s * (TBL_ROWS // NS)
    pltpu.sync_copy(table.at[pl.ds(r0, TBL_ROWS // NS)],
                    shared_tbl.at[pl.ds(r0, TBL_ROWS // NS)])
    plsc.subcore_barrier()

    def fetch_idx(c, slot):
        off = (w * CHUNKS + c) * 2 * EC
        pltpu.sync_copy(eidx_h.at[pl.ds(off, 2 * EC)], idx_v.at[slot])

    def issue(c, slot):
        ss, sd = sems[slot]
        idx_s = idx_v.at[slot].at[pl.ds(0, EC)]
        idx_d = idx_v.at[slot].at[pl.ds(EC, EC)]
        pltpu.async_copy(shared_tbl.at[idx_s], srows.at[slot], ss)
        pltpu.async_copy(shared_tbl.at[idx_d], drows.at[slot], sd)

    def wait(c, slot):
        ss, sd = sems[slot]
        idx_s = idx_v.at[slot].at[pl.ds(0, EC)]
        idx_d = idx_v.at[slot].at[pl.ds(EC, EC)]
        pltpu.make_async_copy(shared_tbl.at[idx_s], srows.at[slot], ss).wait()
        pltpu.make_async_copy(shared_tbl.at[idx_d], drows.at[slot], sd).wait()

    def compute(c, slot):
        sr = srows.at[slot]
        dr = drows.at[slot]

        lane17 = lax.iota(jnp.int32, 16) * 17

        def group(g, _):
            def edge(ee, _):
                row = g * 16 + ee
                ps = []
                for j in range(4):
                    sw = sr[row, pl.ds(16 * j, 16)]
                    dw = dr[row, pl.ds(16 * j, 16)]
                    p_bf = (plsc.bitcast(sw, jnp.bfloat16)
                            * plsc.bitcast(dw, jnp.bfloat16))
                    pa, pb = plsc.unpack(
                        p_bf, format=plsc.PackFormat.INTERLEAVED,
                        preferred_element_type=jnp.float32)
                    ps.append(pa)
                    ps.append(pb)
                t = [ps[2 * i] + ps[2 * i + 1] for i in range(4)]
                t2 = [t[0] + t[1], t[2] + t[3]]
                psum_v[pl.ds(ee * 17, 16)] = t2[0] + t2[1]
                return 0

            lax.fori_loop(0, 16, edge, 0)
            acc = jnp.zeros((16,), jnp.float32)
            for j in range(16):
                acc = acc + plsc.load_gather(psum_v, [lane17 + j])
            scores_v[pl.ds(c * EC + g * 16, 16)] = acc
            return 0

        lax.fori_loop(0, GROUPS, group, 0)

    fetch_idx(0, 0)
    issue(0, 0)

    def pair(p, _):
        for b in range(2):
            c = p * 2 + b

            @pl.when(c + 1 < CHUNKS)
            def _():
                fetch_idx(c + 1, 1 - b)
                issue(c + 1, 1 - b)

            wait(c, b)
            compute(c, b)
        return 0

    lax.fori_loop(0, CHUNKS // 2, pair, 0)
    pltpu.sync_copy(scores_v, scores_h.at[pl.ds(w * E_PER_W, E_PER_W)])


def kernel(edge_index, item_tag, item_testid, item_bigcat, user_daydiff,
           edge_weight, user_W, item_W, tag_W, test_W, bigcat_W, daydiff_W):
    f32 = jnp.float32
    i32 = jnp.int32
    su = f32(0.5 * ALPHA0)
    si = f32(0.25 * ALPHA0)
    user_ws = jnp.pad(user_W * su, ((0, U_PAD - N_USER), (0, 0)))
    item_ws = jnp.pad(item_W * si, ((0, I_PAD - N_ITEM), (0, 0)))
    dd_ws = jnp.pad(daydiff_W * su, ((0, 3), (0, 0)))
    tag_ws = jnp.pad(tag_W * si, ((0, TAG_PAD - 1000), (0, 0)))
    te_ws = jnp.pad(test_W * si, ((0, TE_PAD - 2000), (0, 0)))
    bc_ws = jnp.pad(bigcat_W * si, ((0, 6), (0, 0)))
    dd_idx = jnp.pad(user_daydiff.astype(i32), (0, U_PAD - N_USER))
    tag_idx = jnp.pad(item_tag.astype(i32), (0, I_PAD - N_ITEM))
    te_idx = jnp.pad(item_testid.astype(i32), (0, I_PAD - N_ITEM))
    bc_idx = jnp.pad(item_bigcat.astype(i32), (0, I_PAD - N_ITEM))

    ei = edge_index.astype(i32)
    ei = jnp.where(ei < N_USER, ei, ei + (U_PAD - N_USER))
    sidx = jnp.pad(ei[0], (0, E_PAD - N_EDGES))
    didx = jnp.pad(ei[1], (0, E_PAD - N_EDGES))
    eidx = jnp.concatenate(
        [sidx.reshape(-1, EC), didx.reshape(-1, EC)], axis=1).reshape(-1)

    mesh = plsc.VectorSubcoreMesh(core_axis_name="c", subcore_axis_name="s")
    cparams = pltpu.CompilerParams(needs_layout_passes=False,
                                   use_tc_tiling_on_sc=False)

    build_table = pl.kernel(
        _build_table_body,
        out_type=jax.ShapeDtypeStruct((TBL_ROWS, TBL_W), i32),
        mesh=mesh,
        compiler_params=cparams,
        scratch_types=[
            pltpu.VMEM_SHARED((TAG_PAD, EMBED_DIM), f32),
            pltpu.VMEM_SHARED((TE_PAD, EMBED_DIM), f32),
            pltpu.VMEM_SHARED((16, EMBED_DIM), f32),
            pltpu.VMEM_SHARED((8, EMBED_DIM), f32),
            pltpu.VMEM((U_PER_W,), i32),
            pltpu.VMEM((E_CHUNK,), i32),
            pltpu.VMEM((U_PER_W, EMBED_DIM), f32),
            pltpu.VMEM((E_CHUNK, EMBED_DIM), f32),
            pltpu.VMEM((E_CHUNK, TBL_W), i32),
            pltpu.SemaphoreType.DMA,
        ],
    )
    table = build_table(user_ws, dd_idx, dd_ws, item_ws, tag_idx, tag_ws,
                        te_idx, te_ws, bc_idx, bc_ws)

    scores_k = pl.kernel(
        _scores_body,
        out_type=jax.ShapeDtypeStruct((E_PAD,), f32),
        mesh=mesh,
        compiler_params=cparams,
        scratch_types=[
            pltpu.VMEM_SHARED((TBL_ROWS, TBL_W), i32),
            pltpu.VMEM((2, 2 * EC), i32),
            pltpu.VMEM((2, EC, TBL_W), i32),
            pltpu.VMEM((2, EC, TBL_W), i32),
            pltpu.VMEM((E_PER_W,), f32),
            pltpu.VMEM((16 * 17,), f32),
            pltpu.SemaphoreType.DMA,
            pltpu.SemaphoreType.DMA,
            pltpu.SemaphoreType.DMA,
            pltpu.SemaphoreType.DMA,
        ],
    )
    scores = scores_k(table, eidx)
    return scores[:N_EDGES]

# --- scband reference (transcript-rebuilt; emitter-appended) ---
"""Pipeline reference for scband-my-light-gcnwith-attn-38817914421716 (READ-ONLY COPY).

The authoritative reference and input builder live on the scoring server;
editing this copy changes nothing except your own understanding.
"""

import jax, jax.numpy as jnp
import numpy as np

N_USER = 2000
N_ITEM = 8000
N_TAGS = 1000
N_TESTIDS = 2000
N_BIGCAT = 10
N_DAYDIFF = 5
EMBED_DIM = 128
NUM_LAYERS = 2
N_EDGES = 320000
N_NODES = N_USER + N_ITEM


def _xavier(key, shape):
    fan_in, fan_out = shape[0], shape[1]
    a = np.sqrt(6.0 / (fan_in + fan_out))
    return jax.random.uniform(key, shape, dtype=jnp.float32, minval=-a, maxval=a)


def setup_inputs(seed: int = 0) -> dict:
    key = jax.random.key(seed)
    ks = jax.random.split(key, 12)
    edge_index = jax.random.randint(ks[0], (2, N_EDGES), 0, N_NODES, dtype=jnp.int64)
    item_tag = jax.random.randint(ks[1], (N_ITEM,), 0, N_TAGS, dtype=jnp.int64)
    item_testid = jax.random.randint(ks[2], (N_ITEM,), 0, N_TESTIDS, dtype=jnp.int64)
    item_bigcat = jax.random.randint(ks[3], (N_ITEM,), 0, N_BIGCAT, dtype=jnp.int64)
    user_daydiff = jax.random.randint(ks[4], (N_USER,), 0, N_DAYDIFF, dtype=jnp.int64)
    edge_weight = jax.random.uniform(ks[5], (N_EDGES,), dtype=jnp.float32)
    user_W = _xavier(ks[6], (N_USER, EMBED_DIM))
    item_W = _xavier(ks[7], (N_ITEM, EMBED_DIM))
    tag_W = _xavier(ks[8], (N_TAGS, EMBED_DIM))
    test_W = _xavier(ks[9], (N_TESTIDS, EMBED_DIM))
    bigcat_W = _xavier(ks[10], (N_BIGCAT, EMBED_DIM))
    daydiff_W = _xavier(ks[11], (N_DAYDIFF, EMBED_DIM))
    return {
        "edge_index": edge_index,
        "item_tag": item_tag,
        "item_testid": item_testid,
        "item_bigcat": item_bigcat,
        "user_daydiff": user_daydiff,
        "edge_weight": edge_weight,
        "user_W": user_W,
        "item_W": item_W,
        "tag_W": tag_W,
        "test_W": test_W,
        "bigcat_W": bigcat_W,
        "daydiff_W": daydiff_W,
    }


def reference(edge_index, item_tag, item_testid, item_bigcat, user_daydiff,
              edge_weight, user_W, item_W, tag_W, test_W, bigcat_W, daydiff_W):
    # get_embedding (training=False -> dropout_edge is a no-op)
    alpha0 = 1.0 / (NUM_LAYERS + 1)
    tag_e = jnp.take(tag_W, item_tag, axis=0)
    test_e = jnp.take(test_W, item_testid, axis=0)
    bigcat_e = jnp.take(bigcat_W, item_bigcat, axis=0)
    total = (item_W + tag_e + test_e + bigcat_e) / 4.0
    daydiff_e = jnp.take(daydiff_W, user_daydiff, axis=0)
    user_x = (user_W + daydiff_e) / 2.0
    x = jnp.concatenate([user_x, total], axis=0)
    out = x * alpha0
    # dropout_edge no-op: edge_mask all True, masked_select keeps edge_weight
    # (LGConv loop is commented out in the original module)
    # edge_label_index defaults to edge_index
    src = edge_index[0]
    dst = edge_index[1]
    out_src = jnp.take(out, src, axis=0)
    out_dst = jnp.take(out, dst, axis=0)
    scores = jnp.sum(out_src * out_dst, axis=-1)
    return scores

if __name__ == "__main__":
    import jax
    _d = setup_inputs()
    print(jax.jit(kernel)(*tuple(_d.values())))

</pallas_src>

<mosaic_0001>
#map = affine_map<(d0, d1) -> (0, 0)>
#map1 = affine_map<(d0, d1) -> (0)>
module attributes {stable_mosaic.version = 14 : i64} {
  func.func @_scores_body(%arg0: i32, %arg1: i32, %arg2: memref<10240x64xi32, #tpu.memory_space<hbm>>, %arg3: memref<655360xi32, #tpu.memory_space<hbm>>, %arg4: memref<327680xf32, #tpu.memory_space<hbm>>, %arg5: memref<10240x64xi32, #tpu.memory_space<vmem_shared>>, %arg6: memref<2x256xi32, #tpu.memory_space<vmem>>, %arg7: memref<2x128x64xi32, #tpu.memory_space<vmem>>, %arg8: memref<2x128x64xi32, #tpu.memory_space<vmem>>, %arg9: memref<10240xf32, #tpu.memory_space<vmem>>, %arg10: memref<272xf32, #tpu.memory_space<vmem>>, %arg11: memref<!tpu.dma_semaphore, #tpu.memory_space<semaphore_mem>>, %arg12: memref<!tpu.dma_semaphore, #tpu.memory_space<semaphore_mem>>, %arg13: memref<!tpu.dma_semaphore, #tpu.memory_space<semaphore_mem>>, %arg14: memref<!tpu.dma_semaphore, #tpu.memory_space<semaphore_mem>>) attributes {dimension_semantics = [#tpu.dimension_semantics<core_parallel>, #tpu.dimension_semantics<subcore_parallel>], iteration_bounds = array<i64: 2, 16>, scalar_prefetch = 0 : i64, scratch_operands = 10 : i64, tpu.core_type = #tpu.core_type<sc_vector_subcore>, window_params = [{transform_indices = #map}, {transform_indices = #map1}, {transform_indices = #map1}]} {
    %mul3A = arith.constant 16 : i32
    %mul3A_0 = arith.muli %arg0, %mul3A : i32
    %add3A = arith.addi %mul3A_0, %arg1 : i32
    %mul3A_1 = arith.constant 640 : i32
    %mul3A_2 = arith.muli %arg1, %mul3A_1 : i32
    "tpu.region"() ({
      %run_scoped3A_46 = tpu.sem_alloc : memref<!tpu.dma_semaphore, #tpu.memory_space<semaphore_mem>>
      %dma_start3A_47 = arith.constant 0 : i32
      %dma_start3A_48 = tpu.memref_slice %arg5[%mul3A_2, %dma_start3A_47] : memref<10240x64xi32, #tpu.memory_space<vmem_shared>> -> memref<640x64xi32, #tpu.memory_space<vmem_shared>>
      %dma_start3A_49 = arith.constant 0 : i32
      %dma_start3A_50 = tpu.memref_slice %arg2[%mul3A_2, %dma_start3A_49] : memref<10240x64xi32, #tpu.memory_space<hbm>> -> memref<640x64xi32, #tpu.memory_space<hbm>>
      tpu.enqueue_dma source(%dma_start3A_50 : memref<640x64xi32, #tpu.memory_space<hbm>>) target(%dma_start3A_48 : memref<640x64xi32, #tpu.memory_space<vmem_shared>>) target_semaphore(%run_scoped3A_46 : memref<!tpu.dma_semaphore, #tpu.memory_space<semaphore_mem>>)
      %dma_wait3A = arith.constant 0 : i32
      %dma_wait3A_51 = tpu.memref_slice %arg5[%mul3A_2, %dma_wait3A] : memref<10240x64xi32, #tpu.memory_space<vmem_shared>> -> memref<640x64xi32, #tpu.memory_space<vmem_shared>>
      %dma_wait3A_52 = arith.constant 0 : i32
      %dma_wait3A_53 = tpu.memref_slice %arg2[%mul3A_2, %dma_wait3A_52] : memref<10240x64xi32, #tpu.memory_space<hbm>> -> memref<640x64xi32, #tpu.memory_space<hbm>>
      tpu.wait_dma2 semaphore(%run_scoped3A_46 : memref<!tpu.dma_semaphore, #tpu.memory_space<semaphore_mem>>) src(%dma_wait3A_53 : memref<640x64xi32, #tpu.memory_space<hbm>>) dst(%dma_wait3A_51 : memref<640x64xi32, #tpu.memory_space<vmem_shared>>)
      tpu.yield
    }) : () -> ()
    %barrier3A = arith.constant 0 : index
    tpu.barrier barrier_id(%barrier3A)
    %mul3A_3 = arith.constant 80 : i32
    %mul3A_4 = arith.muli %add3A, %mul3A_3 : i32
    %add3A_5 = arith.constant 0 : i32
    %add3A_6 = arith.addi %mul3A_4, %add3A_5 : i32
    %mul3A_7 = arith.constant 2 : i32
    %mul3A_8 = arith.muli %add3A_6, %mul3A_7 : i32
    %mul3A_9 = arith.constant 128 : i32
    %mul3A_10 = arith.muli %mul3A_8, %mul3A_9 : i32
    %run_scoped3A = arith.constant 0 : i32
    "tpu.region"() ({
      %run_scoped3A_46 = tpu.sem_alloc : memref<!tpu.dma_semaphore, #tpu.memory_space<semaphore_mem>>
      %dma_start3A_47 = arith.constant 0 : i32
      %dma_start3A_48 = tpu.memref_slice %arg6[%run_scoped3A, %dma_start3A_47] : memref<2x256xi32, #tpu.memory_space<vmem>> -> memref<1x256xi32, #tpu.memory_space<vmem>>
      %dma_start3A_49 = tpu.memref_squeeze %dma_start3A_48 : memref<1x256xi32, #tpu.memory_space<vmem>> -> memref<256xi32, #tpu.memory_space<vmem>>
      %dma_start3A_50 = tpu.memref_slice %arg3[%mul3A_10] : memref<655360xi32, #tpu.memory_space<hbm>> -> memref<256xi32, #tpu.memory_space<hbm>>
      %dma_start3A_51 = arith.constant 0 : i32
      %dma_start3A_52 = tpu.memref_slice %arg6[%run_scoped3A, %dma_start3A_51] : memref<2x256xi32, #tpu.memory_space<vmem>> -> memref<1x256xi32, #tpu.memory_space<vmem>>
      %dma_start3A_53 = tpu.memref_squeeze %dma_start3A_52 : memref<1x256xi32, #tpu.memory_space<vmem>> -> memref<256xi32, #tpu.memory_space<vmem>>
      %dma_start3A_54 = tpu.memref_slice %arg3[%mul3A_10] : memref<655360xi32, #tpu.memory_space<hbm>> -> memref<256xi32, #tpu.memory_space<hbm>>
      tpu.enqueue_dma source(%dma_start3A_54 : memref<256xi32, #tpu.memory_space<hbm>>) target(%dma_start3A_53 : memref<256xi32, #tpu.memory_space<vmem>>) target_semaphore(%run_scoped3A_46 : memref<!tpu.dma_semaphore, #tpu.memory_space<semaphore_mem>>)
      %dma_wait3A = arith.constant 0 : i32
      %dma_wait3A_55 = tpu.memref_slice %arg6[%run_scoped3A, %dma_wait3A] : memref<2x256xi32, #tpu.memory_space<vmem>> -> memref<1x256xi32, #tpu.memory_space<vmem>>
      %dma_wait3A_56 = tpu.memref_squeeze %dma_wait3A_55 : memref<1x256xi32, #tpu.memory_space<vmem>> -> memref<256xi32, #tpu.memory_space<vmem>>
      %dma_wait3A_57 = tpu.memref_slice %arg3[%mul3A_10] : memref<655360xi32, #tpu.memory_space<hbm>> -> memref<256xi32, #tpu.memory_space<hbm>>
      %dma_wait3A_58 = arith.constant 0 : i32
      %dma_wait3A_59 = tpu.memref_slice %arg6[%run_scoped3A, %dma_wait3A_58] : memref<2x256xi32, #tpu.memory_space<vmem>> -> memref<1x256xi32, #tpu.memory_space<vmem>>
      %dma_wait3A_60 = tpu.memref_squeeze %dma_wait3A_59 : memref<1x256xi32, #tpu.memory_space<vmem>> -> memref<256xi32, #tpu.memory_space<vmem>>
      %dma_wait3A_61 = tpu.memref_slice %arg3[%mul3A_10] : memref<655360xi32, #tpu.memory_space<hbm>> -> memref<256xi32, #tpu.memory_space<hbm>>
      tpu.wait_dma2 semaphore(%run_scoped3A_46 : memref<!tpu.dma_semaphore, #tpu.memory_space<semaphore_mem>>) src(%dma_wait3A_61 : memref<256xi32, #tpu.memory_space<hbm>>) dst(%dma_wait3A_60 : memref<256xi32, #tpu.memory_space<vmem>>)
      tpu.yield
    }) : () -> ()
    %dma_start3A = arith.constant 0 : i32
    %dma_start3A_11 = arith.constant 0 : i32
    %dma_start3A_12 = arith.constant 0 : i32
    %dma_start3A_13 = arith.constant 0 : i32
    %dma_start3A_14 = tpu.memref_slice %arg7[%dma_start3A_11, %dma_start3A_12, %dma_start3A_13] : memref<2x128x64xi32, #tpu.memory_space<vmem>> -> memref<1x128x64xi32, #tpu.memory_space<vmem>>
    %dma_start3A_15 = tpu.memref_squeeze %dma_start3A_14 : memref<1x128x64xi32, #tpu.memory_space<vmem>> -> memref<128x64xi32, #tpu.memory_space<vmem>>
    %dma_start3A_16 = arith.constant 0 : i32
    %dma_start3A_17 = tpu.memref_slice %arg6[%dma_start3A, %dma_start3A_16] : memref<2x256xi32, #tpu.memory_space<vmem>> -> memref<1x256xi32, #tpu.memory_space<vmem>>
    %dma_start3A_18 = tpu.memref_squeeze %dma_start3A_17 : memref<1x256xi32, #tpu.memory_space<vmem>> -> memref<256xi32, #tpu.memory_space<vmem>>
    %dma_start3A_19 = arith.constant 0 : i32
    %dma_start3A_20 = tpu.memref_slice %dma_start3A_18[%dma_start3A_19] : memref<256xi32, #tpu.memory_space<vmem>> -> memref<128xi32, #tpu.memory_space<vmem>>
    %dma_start3A_21 = arith.constant 0 : i32
    %dma_start3A_22 = arith.constant 0 : i32
    %dma_start3A_23 = tpu.memref_slice %arg5[%dma_start3A_21, %dma_start3A_22] : memref<10240x64xi32, #tpu.memory_space<vmem_shared>> -> memref<10240x64xi32, #tpu.memory_space<vmem_shared>>
    tpu.enqueue_indirect_dma source(%dma_start3A_23 : memref<10240x64xi32, #tpu.memory_space<vmem_shared>>) target(%dma_start3A_15 : memref<128x64xi32, #tpu.memory_space<vmem>>) offsets(%dma_start3A_20 : memref<128xi32, #tpu.memory_space<vmem>>) semaphore(%arg11 : memref<!tpu.dma_semaphore, #tpu.memory_space<semaphore_mem>>)
    %dma_start3A_24 = arith.constant 0 : i32
    %dma_start3A_25 = arith.constant 0 : i32
    %dma_start3A_26 = arith.constant 0 : i32
    %dma_start3A_27 = arith.constant 0 : i32
    %dma_start3A_28 = tpu.memref_slice %arg8[%dma_start3A_25, %dma_start3A_26, %dma_start3A_27] : memref<2x128x64xi32, #tpu.memory_space<vmem>> -> memref<1x128x64xi32, #tpu.memory_space<vmem>>
    %dma_start3A_29 = tpu.memref_squeeze %dma_start3A_28 : memref<1x128x64xi32, #tpu.memory_space<vmem>> -> memref<128x64xi32, #tpu.memory_space<vmem>>
    %dma_start3A_30 = arith.constant 0 : i32
    %dma_start3A_31 = tpu.memref_slice %arg6[%dma_start3A_24, %dma_start3A_30] : memref<2x256xi32, #tpu.memory_space<vmem>> -> memref<1x256xi32, #tpu.memory_space<vmem>>
    %dma_start3A_32 = tpu.memref_squeeze %dma_start3A_31 : memref<1x256xi32, #tpu.memory_space<vmem>> -> memref<256xi32, #tpu.memory_space<vmem>>
    %dma_start3A_33 = arith.constant 128 : i32
    %dma_start3A_34 = tpu.memref_slice %dma_start3A_32[%dma_start3A_33] : memref<256xi32, #tpu.memory_space<vmem>> -> memref<128xi32, #tpu.memory_space<vmem>>
    %dma_start3A_35 = arith.constant 0 : i32
    %dma_start3A_36 = arith.constant 0 : i32
    %dma_start3A_37 = tpu.memref_slice %arg5[%dma_start3A_35, %dma_start3A_36] : memref<10240x64xi32, #tpu.memory_space<vmem_shared>> -> memref<10240x64xi32, #tpu.memory_space<vmem_shared>>
    tpu.enqueue_indirect_dma source(%dma_start3A_37 : memref<10240x64xi32, #tpu.memory_space<vmem_shared>>) target(%dma_start3A_29 : memref<128x64xi32, #tpu.memory_space<vmem>>) offsets(%dma_start3A_34 : memref<128xi32, #tpu.memory_space<vmem>>) semaphore(%arg13 : memref<!tpu.dma_semaphore, #tpu.memory_space<semaphore_mem>>)
    %scan3A = arith.constant 0 : i32
    %scan3A_38 = arith.constant 0 : i32
    %scan3A_39 = arith.constant 40 : i32
    %scan3A_40 = arith.addi %scan3A_38, %scan3A_39 : i32
    %scan3A_41 = arith.constant 1 : i32
    %scan3A_42 = scf.for %scan3A_46 = %scan3A_38 to %scan3A_40 step %scan3A_41 iter_args(%scan3A_47 = %scan3A) -> (i32)  : i32 {
      %mul3A_48 = arith.constant 2 : i32
      %mul3A_49 = arith.muli %scan3A_46, %mul3A_48 : i32
      %add3A_50 = arith.constant 0 : i32
      %add3A_51 = arith.addi %mul3A_49, %add3A_50 : i32
      %add3A_52 = arith.constant 1 : i32
      %add3A_53 = arith.addi %add3A_51, %add3A_52 : i32
      %lt3A = arith.constant 80 : i32
      %lt3A_54 = arith.cmpi slt, %add3A_53, %lt3A : i32
      %convert_element_type3A = arith.extui %lt3A_54 : i1 to i32
      %cond3A = arith.constant 0 : i32
      %cond3A_55 = arith.cmpi ne, %convert_element_type3A, %cond3A : i32
      scf.if %cond3A_55 {
        %add3A_148 = arith.constant 1 : i32
        %add3A_149 = arith.addi %add3A_51, %add3A_148 : i32
        %mul3A_150 = arith.constant 80 : i32
        %mul3A_151 = arith.muli %add3A, %mul3A_150 : i32
        %add3A_152 = arith.addi %mul3A_151, %add3A_149 : i32
        %mul3A_153 = arith.constant 2 : i32
        %mul3A_154 = arith.muli %add3A_152, %mul3A_153 : i32
        %mul3A_155 = arith.constant 128 : i32
        %mul3A_156 = arith.muli %mul3A_154, %mul3A_155 : i32
        %run_scoped3A_157 = arith.constant 1 : i32
        "tpu.region"() ({
          %run_scoped3A_188 = tpu.sem_alloc : memref<!tpu.dma_semaphore, #tpu.memory_space<semaphore_mem>>
          %dma_start3A_189 = arith.constant 0 : i32
          %dma_start3A_190 = tpu.memref_slice %arg6[%run_scoped3A_157, %dma_start3A_189] : memref<2x256xi32, #tpu.memory_space<vmem>> -> memref<1x256xi32, #tpu.memory_space<vmem>>
          %dma_start3A_191 = tpu.memref_squeeze %dma_start3A_190 : memref<1x256xi32, #tpu.memory_space<vmem>> -> memref<256xi32, #tpu.memory_space<vmem>>
          %dma_start3A_192 = tpu.memref_slice %arg3[%mul3A_156] : memref<655360xi32, #tpu.memory_space<hbm>> -> memref<256xi32, #tpu.memory_space<hbm>>
          %dma_start3A_193 = arith.constant 0 : i32
          %dma_start3A_194 = tpu.memref_slice %arg6[%run_scoped3A_157, %dma_start3A_193] : memref<2x256xi32, #tpu.memory_space<vmem>> -> memref<1x256xi32, #tpu.memory_space<vmem>>
          %dma_start3A_195 = tpu.memref_squeeze %dma_start3A_194 : memref<1x256xi32, #tpu.memory_space<vmem>> -> memref<256xi32, #tpu.memory_space<vmem>>
          %dma_start3A_196 = tpu.memref_slice %arg3[%mul3A_156] : memref<655360xi32, #tpu.memory_space<hbm>> -> memref<256xi32, #tpu.memory_space<hbm>>
          tpu.enqueue_dma source(%dma_start3A_196 : memref<256xi32, #tpu.memory_space<hbm>>) target(%dma_start3A_195 : memref<256xi32, #tpu.memory_space<vmem>>) target_semaphore(%run_scoped3A_188 : memref<!tpu.dma_semaphore, #tpu.memory_space<semaphore_mem>>)
          %dma_wait3A_197 = arith.constant 0 : i32
          %dma_wait3A_198 = tpu.memref_slice %arg6[%run_scoped3A_157, %dma_wait3A_197] : memref<2x256xi32, #tpu.memory_space<vmem>> -> memref<1x256xi32, #tpu.memory_space<vmem>>
          %dma_wait3A_199 = tpu.memref_squeeze %dma_wait3A_198 : memref<1x256xi32, #tpu.memory_space<vmem>> -> memref<256xi32, #tpu.memory_space<vmem>>
          %dma_wait3A_200 = tpu.memref_slice %arg3[%mul3A_156] : memref<655360xi32, #tpu.memory_space<hbm>> -> memref<256xi32, #tpu.memory_space<hbm>>
          %dma_wait3A_201 = arith.constant 0 : i32
          %dma_wait3A_202 = tpu.memref_slice %arg6[%run_scoped3A_157, %dma_wait3A_201] : memref<2x256xi32, #tpu.memory_space<vmem>> -> memref<1x256xi32, #tpu.memory_space<vmem>>
          %dma_wait3A_203 = tpu.memref_squeeze %dma_wait3A_202 : memref<1x256xi32, #tpu.memory_space<vmem>> -> memref<256xi32, #tpu.memory_space<vmem>>
          %dma_wait3A_204 = tpu.memref_slice %arg3[%mul3A_156] : memref<655360xi32, #tpu.memory_space<hbm>> -> memref<256xi32, #tpu.memory_space<hbm>>
          tpu.wait_dma2 semaphore(%run_scoped3A_188 : memref<!tpu.dma_semaphore, #tpu.memory_space<semaphore_mem>>) src(%dma_wait3A_204 : memref<256xi32, #tpu.memory_space<hbm>>) dst(%dma_wait3A_203 : memref<256xi32, #tpu.memory_space<vmem>>)
          tpu.yield
        }) : () -> ()
        %add3A_158 = arith.constant 1 : i32
        %add3A_159 = arith.addi %add3A_51, %add3A_158 : i32
        %dma_start3A_160 = arith.constant 1 : i32
        %dma_start3A_161 = arith.constant 1 : i32
        %dma_start3A_162 = arith.constant 0 : i32
        %dma_start3A_163 = arith.constant 0 : i32
        %dma_start3A_164 = tpu.memref_slice %arg7[%dma_start3A_161, %dma_start3A_162, %dma_start3A_163] : memref<2x128x64xi32, #tpu.memory_space<vmem>> -> memref<1x128x64xi32, #tpu.memory_space<vmem>>
        %dma_start3A_165 = tpu.memref_squeeze %dma_start3A_164 : memref<1x128x64xi32, #tpu.memory_space<vmem>> -> memref<128x64xi32, #tpu.memory_space<vmem>>
        %dma_start3A_166 = arith.constant 0 : i32
        %dma_start3A_167 = tpu.memref_slice %arg6[%dma_start3A_160, %dma_start3A_166] : memref<2x256xi32, #tpu.memory_space<vmem>> -> memref<1x256xi32, #tpu.memory_space<vmem>>
        %dma_start3A_168 = tpu.memref_squeeze %dma_start3A_167 : memref<1x256xi32, #tpu.memory_space<vmem>> -> memref<256xi32, #tpu.memory_space<vmem>>
        %dma_start3A_169 = arith.constant 0 : i32
        %dma_start3A_170 = tpu.memref_slice %dma_start3A_168[%dma_start3A_169] : memref<256xi32, #tpu.memory_space<vmem>> -> memref<128xi32, #tpu.memory_space<vmem>>
        %dma_start3A_171 = arith.constant 0 : i32
        %dma_start3A_172 = arith.constant 0 : i32
        %dma_start3A_173 = tpu.memref_slice %arg5[%dma_start3A_171, %dma_start3A_172] : memref<10240x64xi32, #tpu.memory_space<vmem_shared>> -> memref<10240x64xi32, #tpu.memory_space<vmem_shared>>
        tpu.enqueue_indirect_dma source(%dma_start3A_173 : memref<10240x64xi32, #tpu.memory_space<vmem_shared>>) target(%dma_start3A_165 : memref<128x64xi32, #tpu.memory_space<vmem>>) offsets(%dma_start3A_170 : memref<128xi32, #tpu.memory_space<vmem>>) semaphore(%arg12 : memref<!tpu.dma_semaphore, #tpu.memory_space<semaphore_mem>>)
        %dma_start3A_174 = arith.constant 1 : i32
        %dma_start3A_175 = arith.constant 1 : i32
        %dma_start3A_176 = arith.constant 0 : i32
        %dma_start3A_177 = arith.constant 0 : i32
        %dma_start3A_178 = tpu.memref_slice %arg8[%dma_start3A_175, %dma_start3A_176, %dma_start3A_177] : memref<2x128x64xi32, #tpu.memory_space<vmem>> -> memref<1x128x64xi32, #tpu.memory_space<vmem>>
        %dma_start3A_179 = tpu.memref_squeeze %dma_start3A_178 : memref<1x128x64xi32, #tpu.memory_space<vmem>> -> memref<128x64xi32, #tpu.memory_space<vmem>>
        %dma_start3A_180 = arith.constant 0 : i32
        %dma_start3A_181 = tpu.memref_slice %arg6[%dma_start3A_174, %dma_start3A_180] : memref<2x256xi32, #tpu.memory_space<vmem>> -> memref<1x256xi32, #tpu.memory_space<vmem>>
        %dma_start3A_182 = tpu.memref_squeeze %dma_start3A_181 : memref<1x256xi32, #tpu.memory_space<vmem>> -> memref<256xi32, #tpu.memory_space<vmem>>
        %dma_start3A_183 = arith.constant 128 : i32
        %dma_start3A_184 = tpu.memref_slice %dma_start3A_182[%dma_start3A_183] : memref<256xi32, #tpu.memory_space<vmem>> -> memref<128xi32, #tpu.memory_space<vmem>>
        %dma_start3A_185 = arith.constant 0 : i32
        %dma_start3A_186 = arith.constant 0 : i32
        %dma_start3A_187 = tpu.memref_slice %arg5[%dma_start3A_185, %dma_start3A_186] : memref<10240x64xi32, #tpu.memory_space<vmem_shared>> -> memref<10240x64xi32, #tpu.memory_space<vmem_shared>>
        tpu.enqueue_indirect_dma source(%dma_start3A_187 : memref<10240x64xi32, #tpu.memory_space<vmem_shared>>) target(%dma_start3A_179 : memref<128x64xi32, #tpu.memory_space<vmem>>) offsets(%dma_start3A_184 : memref<128xi32, #tpu.memory_space<vmem>>) semaphore(%arg14 : memref<!tpu.dma_semaphore, #tpu.memory_space<semaphore_mem>>)
      } else {
      }
      %dma_wait3A = arith.constant 0 : i32
      %dma_wait3A_56 = arith.constant 0 : i32
      %dma_wait3A_57 = arith.constant 0 : i32
      %dma_wait3A_58 = arith.constant 0 : i32
      %dma_wait3A_59 = tpu.memref_slice %arg7[%dma_wait3A_56, %dma_wait3A_57, %dma_wait3A_58] : memref<2x128x64xi32, #tpu.memory_space<vmem>> -> memref<1x128x64xi32, #tpu.memory_space<vmem>>
      %dma_wait3A_60 = tpu.memref_squeeze %dma_wait3A_59 : memref<1x128x64xi32, #tpu.memory_space<vmem>> -> memref<128x64xi32, #tpu.memory_space<vmem>>
      %dma_wait3A_61 = arith.constant 0 : i32
      %dma_wait3A_62 = tpu.memref_slice %arg6[%dma_wait3A, %dma_wait3A_61] : memref<2x256xi32, #tpu.memory_space<vmem>> -> memref<1x256xi32, #tpu.memory_space<vmem>>
      %dma_wait3A_63 = tpu.memref_squeeze %dma_wait3A_62 : memref<1x256xi32, #tpu.memory_space<vmem>> -> memref<256xi32, #tpu.memory_space<vmem>>
      %dma_wait3A_64 = arith.constant 0 : i32
      %dma_wait3A_65 = tpu.memref_slice %dma_wait3A_63[%dma_wait3A_64] : memref<256xi32, #tpu.memory_space<vmem>> -> memref<128xi32, #tpu.memory_space<vmem>>
      %dma_wait3A_66 = arith.constant 0 : i32
      %dma_wait3A_67 = arith.constant 0 : i32
      %dma_wait3A_68 = tpu.memref_slice %arg5[%dma_wait3A_66, %dma_wait3A_67] : memref<10240x64xi32, #tpu.memory_space<vmem_shared>> -> memref<10240x64xi32, #tpu.memory_space<vmem_shared>>
      tpu.wait_indirect_dma semaphore(%arg11 : memref<!tpu.dma_semaphore, #tpu.memory_space<semaphore_mem>>) src(%dma_wait3A_68 : memref<10240x64xi32, #tpu.memory_space<vmem_shared>>) dst(%dma_wait3A_60 : memref<128x64xi32, #tpu.memory_space<vmem>>)
      %dma_wait3A_69 = arith.constant 0 : i32
      %dma_wait3A_70 = arith.constant 0 : i32
      %dma_wait3A_71 = arith.constant 0 : i32
      %dma_wait3A_72 = arith.constant 0 : i32
      %dma_wait3A_73 = tpu.memref_slice %arg8[%dma_wait3A_70, %dma_wait3A_71, %dma_wait3A_72] : memref<2x128x64xi32, #tpu.memory_space<vmem>> -> memref<1x128x64xi32, #tpu.memory_space<vmem>>
      %dma_wait3A_74 = tpu.memref_squeeze %dma_wait3A_73 : memref<1x128x64xi32, #tpu.memory_space<vmem>> -> memref<128x64xi32, #tpu.memory_space<vmem>>
      %dma_wait3A_75 = arith.constant 0 : i32
      %dma_wait3A_76 = tpu.memref_slice %arg6[%dma_wait3A_69, %dma_wait3A_75] : memref<2x256xi32, #tpu.memory_space<vmem>> -> memref<1x256xi32, #tpu.memory_space<vmem>>
      %dma_wait3A_77 = tpu.memref_squeeze %dma_wait3A_76 : memref<1x256xi32, #tpu.memory_space<vmem>> -> memref<256xi32, #tpu.memory_space<vmem>>
      %dma_wait3A_78 = arith.constant 128 : i32
      %dma_wait3A_79 = tpu.memref_slice %dma_wait3A_77[%dma_wait3A_78] : memref<256xi32, #tpu.memory_space<vmem>> -> memref<128xi32, #tpu.memory_space<vmem>>
      %dma_wait3A_80 = arith.constant 0 : i32
      %dma_wait3A_81 = arith.constant 0 : i32
      %dma_wait3A_82 = tpu.memref_slice %arg5[%dma_wait3A_80, %dma_wait3A_81] : memref<10240x64xi32, #tpu.memory_space<vmem_shared>> -> memref<10240x64xi32, #tpu.memory_space<vmem_shared>>
      tpu.wait_indirect_dma semaphore(%arg13 : memref<!tpu.dma_semaphore, #tpu.memory_space<semaphore_mem>>) src(%dma_wait3A_82 : memref<10240x64xi32, #tpu.memory_space<vmem_shared>>) dst(%dma_wait3A_74 : memref<128x64xi32, #tpu.memory_space<vmem>>)
      %iota3A = tpu.iota {dimensions = array<i32: 0>} : vector<16xi32>
      %mul3A_83 = arith.constant 17 : i32
      %mul3A_84 = vector.broadcast %mul3A_83 : i32 to vector<16xi32>
      %mul3A_85 = arith.muli %iota3A, %mul3A_84 : vector<16xi32>
      %scan3A_86 = arith.constant 0 : i32
      %scan3A_87 = arith.constant 0 : i32
      %scan3A_88 = arith.constant 0 : i32
      %scan3A_89 = arith.constant 0 : i32
      %scan3A_90 = arith.constant 8 : i32
      %scan3A_91 = arith.addi %scan3A_89, %scan3A_90 : i32
      %scan3A_92 = arith.constant 1 : i32
      %scan3A_93 = scf.for %scan3A_148 = %scan3A_89 to %scan3A_91 step %scan3A_92 iter_args(%scan3A_149 = %scan3A_88) -> (i32)  : i32 {
        %scan3A_150 = arith.constant 0 : i32
        %scan3A_151 = arith.constant 0 : i32
        %scan3A_152 = arith.constant 16 : i32
        %scan3A_153 = arith.addi %scan3A_151, %scan3A_152 : i32
        %scan3A_154 = arith.constant 1 : i32
        %scan3A_155 = scf.for %scan3A_244 = %scan3A_151 to %scan3A_153 step %scan3A_154 iter_args(%scan3A_245 = %scan3A_150) -> (i32)  : i32 {
          %mul3A_246 = arith.constant 16 : i32
          %mul3A_247 = arith.muli %scan3A_148, %mul3A_246 : i32
          %add3A_248 = arith.addi %mul3A_247, %scan3A_244 : i32
          %get3A = arith.constant 0 : i32
          %get3A_249 = arith.constant 0 : i32
          %get3A_250 = tpu.memref_slice %arg7[%scan3A_86, %get3A, %get3A_249] : memref<2x128x64xi32, #tpu.memory_space<vmem>> -> memref<1x128x64xi32, #tpu.memory_space<vmem>>
          %get3A_251 = tpu.memref_squeeze %get3A_250 : memref<1x128x64xi32, #tpu.memory_space<vmem>> -> memref<128x64xi32, #tpu.memory_space<vmem>>
          %get3A_252 = arith.index_cast %add3A_248 : i32 to index
          %get3A_253 = arith.constant 0 : index
          %get3A_254 = tpu.vector_load %get3A_251[%get3A_252, %get3A_253] {strides = array<i32>} : memref<128x64xi32, #tpu.memory_space<vmem>>, vector<16xi32>,
          %get3A_255 = arith.constant 0 : i32
          %get3A_256 = arith.constant 0 : i32
          %get3A_257 = tpu.memref_slice %arg8[%scan3A_87, %get3A_255, %get3A_256] : memref<2x128x64xi32, #tpu.memory_space<vmem>> -> memref<1x128x64xi32, #tpu.memory_space<vmem>>
          %get3A_258 = tpu.memref_squeeze %get3A_257 : memref<1x128x64xi32, #tpu.memory_space<vmem>> -> memref<128x64xi32, #tpu.memory_space<vmem>>
          %get3A_259 = arith.index_cast %add3A_248 : i32 to index
          %get3A_260 = arith.constant 0 : index
          %get3A_261 = tpu.vector_load %get3A_258[%get3A_259, %get3A_260] {strides = array<i32>} : memref<128x64xi32, #tpu.memory_space<vmem>>, vector<16xi32>,
          %bitcast3A = vector.bitcast %get3A_254 : vector<16xi32> to vector<32xbf16>
          %bitcast3A_262 = vector.bitcast %get3A_261 : vector<16xi32> to vector<32xbf16>
          %mul3A_263 = arith.mulf %bitcast3A, %bitcast3A_262 : vector<32xbf16>
          %unpack3A = tpu.unpack_subelements %mul3A_263, 0 {pack_format = #tpu.pack_format<interleaved>} : vector<32xbf16> -> vector<16xf32>
          %unpack3A_264 = tpu.unpack_subelements %mul3A_263, 1 {pack_format = #tpu.pack_format<interleaved>} : vector<32xbf16> -> vector<16xf32>
          %get3A_265 = arith.constant 0 : i32
          %get3A_266 = arith.constant 0 : i32
          %get3A_267 = tpu.memref_slice %arg7[%scan3A_86, %get3A_265, %get3A_266] : memref<2x128x64xi32, #tpu.memory_space<vmem>> -> memref<1x128x64xi32, #tpu.memory_space<vmem>>
          %get3A_268 = tpu.memref_squeeze %get3A_267 : memref<1x128x64xi32, #tpu.memory_space<vmem>> -> memref<128x64xi32, #tpu.memory_space<vmem>>
          %get3A_269 = arith.index_cast %add3A_248 : i32 to index
          %get3A_270 = arith.constant 16 : index
          %get3A_271 = tpu.vector_load %get3A_268[%get3A_269, %get3A_270] {strides = array<i32>} : memref<128x64xi32, #tpu.memory_space<vmem>>, vector<16xi32>,
          %get3A_272 = arith.constant 0 : i32
          %get3A_273 = arith.constant 0 : i32
          %get3A_274 = tpu.memref_slice %arg8[%scan3A_87, %get3A_272, %get3A_273] : memref<2x128x64xi32, #tpu.memory_space<vmem>> -> memref<1x128x64xi32, #tpu.memory_space<vmem>>
          %get3A_275 = tpu.memref_squeeze %get3A_274 : memref<1x128x64xi32, #tpu.memory_space<vmem>> -> memref<128x64xi32, #tpu.memory_space<vmem>>
          %get3A_276 = arith.index_cast %add3A_248 : i32 to index
          %get3A_277 = arith.constant 16 : index
          %get3A_278 = tpu.vector_load %get3A_275[%get3A_276, %get3A_277] {strides = array<i32>} : memref<128x64xi32, #tpu.memory_space<vmem>>, vector<16xi32>,
          %bitcast3A_279 = vector.bitcast %get3A_271 : vector<16xi32> to vector<32xbf16>
          %bitcast3A_280 = vector.bitcast %get3A_278 : vector<16xi32> to vector<32xbf16>
          %mul3A_281 = arith.mulf %bitcast3A_279, %bitcast3A_280 : vector<32xbf16>
          %unpack3A_282 = tpu.unpack_subelements %mul3A_281, 0 {pack_format = #tpu.pack_format<interleaved>} : vector<32xbf16> -> vector<16xf32>
          %unpack3A_283 = tpu.unpack_subelements %mul3A_281, 1 {pack_format = #tpu.pack_format<interleaved>} : vector<32xbf16> -> vector<16xf32>
          %get3A_284 = arith.constant 0 : i32
          %get3A_285 = arith.constant 0 : i32
          %get3A_286 = tpu.memref_slice %arg7[%scan3A_86, %get3A_284, %get3A_285] : memref<2x128x64xi32, #tpu.memory_space<vmem>> -> memref<1x128x64xi32, #tpu.memory_space<vmem>>
          %get3A_287 = tpu.memref_squeeze %get3A_286 : memref<1x128x64xi32, #tpu.memory_space<vmem>> -> memref<128x64xi32, #tpu.memory_space<vmem>>
          %get3A_288 = arith.index_cast %add3A_248 : i32 to index
          %get3A_289 = arith.constant 32 : index
          %get3A_290 = tpu.vector_load %get3A_287[%get3A_288, %get3A_289] {strides = array<i32>} : memref<128x64xi32, #tpu.memory_space<vmem>>, vector<16xi32>,
          %get3A_291 = arith.constant 0 : i32
          %get3A_292 = arith.constant 0 : i32
          %get3A_293 = tpu.memref_slice %arg8[%scan3A_87, %get3A_291, %get3A_292] : memref<2x128x64xi32, #tpu.memory_space<vmem>> -> memref<1x128x64xi32, #tpu.memory_space<vmem>>
          %get3A_294 = tpu.memref_squeeze %get3A_293 : memref<1x128x64xi32, #tpu.memory_space<vmem>> -> memref<128x64xi32, #tpu.memory_space<vmem>>
          %get3A_295 = arith.index_cast %add3A_248 : i32 to index
          %get3A_296 = arith.constant 32 : index
          %get3A_297 = tpu.vector_load %get3A_294[%get3A_295, %get3A_296] {strides = array<i32>} : memref<128x64xi32, #tpu.memory_space<vmem>>, vector<16xi32>,
          %bitcast3A_298 = vector.bitcast %get3A_290 : vector<16xi32> to vector<32xbf16>
          %bitcast3A_299 = vector.bitcast %get3A_297 : vector<16xi32> to vector<32xbf16>
          %mul3A_300 = arith.mulf %bitcast3A_298, %bitcast3A_299 : vector<32xbf16>
          %unpack3A_301 = tpu.unpack_subelements %mul3A_300, 0 {pack_format = #tpu.pack_format<interleaved>} : vector<32xbf16> -> vector<16xf32>
          %unpack3A_302 = tpu.unpack_subelements %mul3A_300, 1 {pack_format = #tpu.pack_format<interleaved>} : vector<32xbf16> -> vector<16xf32>
          %get3A_303 = arith.constant 0 : i32
          %get3A_304 = arith.constant 0 : i32
          %get3A_305 = tpu.memref_slice %arg7[%scan3A_86, %get3A_303, %get3A_304] : memref<2x128x64xi32, #tpu.memory_space<vmem>> -> memref<1x128x64xi32, #tpu.memory_space<vmem>>
          %get3A_306 = tpu.memref_squeeze %get3A_305 : memref<1x128x64xi32, #tpu.memory_space<vmem>> -> memref<128x64xi32, #tpu.memory_space<vmem>>
          %get3A_307 = arith.index_cast %add3A_248 : i32 to index
          %get3A_308 = arith.constant 48 : index
          %get3A_309 = tpu.vector_load %get3A_306[%get3A_307, %get3A_308] {strides = array<i32>} : memref<128x64xi32, #tpu.memory_space<vmem>>, vector<16xi32>,
          %get3A_310 = arith.constant 0 : i32
          %get3A_311 = arith.constant 0 : i32
          %get3A_312 = tpu.memref_slice %arg8[%scan3A_87, %get3A_310, %get3A_311] : memref<2x128x64xi32, #tpu.memory_space<vmem>> -> memref<1x128x64xi32, #tpu.memory_space<vmem>>
          %get3A_313 = tpu.memref_squeeze %get3A_312 : memref<1x128x64xi32, #tpu.memory_space<vmem>> -> memref<128x64xi32, #tpu.memory_space<vmem>>
          %get3A_314 = arith.index_cast %add3A_248 : i32 to index
          %get3A_315 = arith.constant 48 : index
          %get3A_316 = tpu.vector_load %get3A_313[%get3A_314, %get3A_315] {strides = array<i32>} : memref<128x64xi32, #tpu.memory_space<vmem>>, vector<16xi32>,
          %bitcast3A_317 = vector.bitcast %get3A_309 : vector<16xi32> to vector<32xbf16>
          %bitcast3A_318 = vector.bitcast %get3A_316 : vector<16xi32> to vector<32xbf16>
          %mul3A_319 = arith.mulf %bitcast3A_317, %bitcast3A_318 : vector<32xbf16>
          %unpack3A_320 = tpu.unpack_subelements %mul3A_319, 0 {pack_format = #tpu.pack_format<interleaved>} : vector<32xbf16> -> vector<16xf32>
          %unpack3A_321 = tpu.unpack_subelements %mul3A_319, 1 {pack_format = #tpu.pack_format<interleaved>} : vector<32xbf16> -> vector<16xf32>
          %add3A_322 = arith.addf %unpack3A, %unpack3A_264 : vector<16xf32>
          %add3A_323 = arith.addf %unpack3A_282, %unpack3A_283 : vector<16xf32>
          %add3A_324 = arith.addf %unpack3A_301, %unpack3A_302 : vector<16xf32>
          %add3A_325 = arith.addf %unpack3A_320, %unpack3A_321 : vector<16xf32>
          %add3A_326 = arith.addf %add3A_322, %add3A_323 : vector<16xf32>
          %add3A_327 = arith.addf %add3A_324, %add3A_325 : vector<16xf32>
          %add3A_328 = arith.addf %add3A_326, %add3A_327 : vector<16xf32>
          %mul3A_329 = arith.constant 17 : i32
          %mul3A_330 = arith.muli %scan3A_244, %mul3A_329 : i32
          %swap3A_331 = arith.index_cast %mul3A_330 : i32 to index
          %swap3A_332 = tpu.vector_load %arg10[%swap3A_331] {strides = array<i32>} : memref<272xf32, #tpu.memory_space<vmem>>, vector<16xf32>,
          tpu.vector_store %arg10[%swap3A_331], %add3A_328 {strides = array<i32>} : memref<272xf32, #tpu.memory_space<vmem>>, vector<16xf32>,
          %scan3A_333 = arith.constant 0 : i32
          scf.yield %scan3A_333 : i32
        }
        %scan3A_156 = arith.constant 16 : i32
        %broadcast_in_dim3A = arith.constant 0.000000e+00 : f32
        %broadcast_in_dim3A_157 = vector.broadcast %broadcast_in_dim3A : f32 to vector<16xf32>
        %add3A_158 = arith.constant 0 : i32
        %add3A_159 = vector.broadcast %add3A_158 : i32 to vector<16xi32>
        %add3A_160 = arith.addi %mul3A_85, %add3A_159 : vector<16xi32>
        %gather3A = tpu.vector_load_idx %arg10[%add3A_160] : memref<272xf32, #tpu.memory_space<vmem>>[vector<16xi32>], vector<16xf32>,
        %add3A_161 = arith.addf %broadcast_in_dim3A_157, %gather3A : vector<16xf32>
        %add3A_162 = arith.constant 1 : i32
        %add3A_163 = vector.broadcast %add3A_162 : i32 to vector<16xi32>
        %add3A_164 = arith.addi %mul3A_85, %add3A_163 : vector<16xi32>
        %gather3A_165 = tpu.vector_load_idx %arg10[%add3A_164] : memref<272xf32, #tpu.memory_space<vmem>>[vector<16xi32>], vector<16xf32>,
        %add3A_166 = arith.addf %add3A_161, %gather3A_165 : vector<16xf32>
        %add3A_167 = arith.constant 2 : i32
        %add3A_168 = vector.broadcast %add3A_167 : i32 to vector<16xi32>
        %add3A_169 = arith.addi %mul3A_85, %add3A_168 : vector<16xi32>
        %gather3A_170 = tpu.vector_load_idx %arg10[%add3A_169] : memref<272xf32, #tpu.memory_space<vmem>>[vector<16xi32>], vector<16xf32>,
        %add3A_171 = arith.addf %add3A_166, %gather3A_170 : vector<16xf32>
        %add3A_172 = arith.constant 3 : i32
        %add3A_173 = vector.broadcast %add3A_172 : i32 to vector<16xi32>
        %add3A_174 = arith.addi %mul3A_85, %add3A_173 : vector<16xi32>
        %gather3A_175 = tpu.vector_load_idx %arg10[%add3A_174] : memref<272xf32, #tpu.memory_space<vmem>>[vector<16xi32>], vector<16xf32>,
        %add3A_176 = arith.addf %add3A_171, %gather3A_175 : vector<16xf32>
        %add3A_177 = arith.constant 4 : i32
        %add3A_178 = vector.broadcast %add3A_177 : i32 to vector<16xi32>
        %add3A_179 = arith.addi %mul3A_85, %add3A_178 : vector<16xi32>
        %gather3A_180 = tpu.vector_load_idx %arg10[%add3A_179] : memref<272xf32, #tpu.memory_space<vmem>>[vector<16xi32>], vector<16xf32>,
        %add3A_181 = arith.addf %add3A_176, %gather3A_180 : vector<16xf32>
        %add3A_182 = arith.constant 5 : i32
        %add3A_183 = vector.broadcast %add3A_182 : i32 to vector<16xi32>
        %add3A_184 = arith.addi %mul3A_85, %add3A_183 : vector<16xi32>
        %gather3A_185 = tpu.vector_load_idx %arg10[%add3A_184] : memref<272xf32, #tpu.memory_space<vmem>>[vector<16xi32>], vector<16xf32>,
        %add3A_186 = arith.addf %add3A_181, %gather3A_185 : vector<16xf32>
        %add3A_187 = arith.constant 6 : i32
        %add3A_188 = vector.broadcast %add3A_187 : i32 to vector<16xi32>
        %add3A_189 = arith.addi %mul3A_85, %add3A_188 : vector<16xi32>
        %gather3A_190 = tpu.vector_load_idx %arg10[%add3A_189] : memref<272xf32, #tpu.memory_space<vmem>>[vector<16xi32>], vector<16xf32>,
        %add3A_191 = arith.addf %add3A_186, %gather3A_190 : vector<16xf32>
        %add3A_192 = arith.constant 7 : i32
        %add3A_193 = vector.broadcast %add3A_192 : i32 to vector<16xi32>
        %add3A_194 = arith.addi %mul3A_85, %add3A_193 : vector<16xi32>
        %gather3A_195 = tpu.vector_load_idx %arg10[%add3A_194] : memref<272xf32, #tpu.memory_space<vmem>>[vector<16xi32>], vector<16xf32>,
        %add3A_196 = arith.addf %add3A_191, %gather3A_195 : vector<16xf32>
        %add3A_197 = arith.constant 8 : i32
        %add3A_198 = vector.broadcast %add3A_197 : i32 to vector<16xi32>
        %add3A_199 = arith.addi %mul3A_85, %add3A_198 : vector<16xi32>
        %gather3A_200 = tpu.vector_load_idx %arg10[%add3A_199] : memref<272xf32, #tpu.memory_space<vmem>>[vector<16xi32>], vector<16xf32>,
        %add3A_201 = arith.addf %add3A_196, %gather3A_200 : vector<16xf32>
        %add3A_202 = arith.constant 9 : i32
        %add3A_203 = vector.broadcast %add3A_202 : i32 to vector<16xi32>
        %add3A_204 = arith.addi %mul3A_85, %add3A_203 : vector<16xi32>
        %gather3A_205 = tpu.vector_load_idx %arg10[%add3A_204] : memref<272xf32, #tpu.memory_space<vmem>>[vector<16xi32>], vector<16xf32>,
        %add3A_206 = arith.addf %add3A_201, %gather3A_205 : vector<16xf32>
        %add3A_207 = arith.constant 10 : i32
        %add3A_208 = vector.broadcast %add3A_207 : i32 to vector<16xi32>
        %add3A_209 = arith.addi %mul3A_85, %add3A_208 : vector<16xi32>
        %gather3A_210 = tpu.vector_load_idx %arg10[%add3A_209] : memref<272xf32, #tpu.memory_space<vmem>>[vector<16xi32>], vector<16xf32>,
        %add3A_211 = arith.addf %add3A_206, %gather3A_210 : vector<16xf32>
        %add3A_212 = arith.constant 11 : i32
        %add3A_213 = vector.broadcast %add3A_212 : i32 to vector<16xi32>
        %add3A_214 = arith.addi %mul3A_85, %add3A_213 : vector<16xi32>
        %gather3A_215 = tpu.vector_load_idx %arg10[%add3A_214] : memref<272xf32, #tpu.memory_space<vmem>>[vector<16xi32>], vector<16xf32>,
        %add3A_216 = arith.addf %add3A_211, %gather3A_215 : vector<16xf32>
        %add3A_217 = arith.constant 12 : i32
        %add3A_218 = vector.broadcast %add3A_217 : i32 to vector<16xi32>
        %add3A_219 = arith.addi %mul3A_85, %add3A_218 : vector<16xi32>
        %gather3A_220 = tpu.vector_load_idx %arg10[%add3A_219] : memref<272xf32, #tpu.memory_space<vmem>>[vector<16xi32>], vector<16xf32>,
        %add3A_221 = arith.addf %add3A_216, %gather3A_220 : vector<16xf32>
        %add3A_222 = arith.constant 13 : i32
        %add3A_223 = vector.broadcast %add3A_222 : i32 to vector<16xi32>
        %add3A_224 = arith.addi %mul3A_85, %add3A_223 : vector<16xi32>
        %gather3A_225 = tpu.vector_load_idx %arg10[%add3A_224] : memref<272xf32, #tpu.memory_space<vmem>>[vector<16xi32>], vector<16xf32>,
        %add3A_226 = arith.addf %add3A_221, %gather3A_225 : vector<16xf32>
        %add3A_227 = arith.constant 14 : i32
        %add3A_228 = vector.broadcast %add3A_227 : i32 to vector<16xi32>
        %add3A_229 = arith.addi %mul3A_85, %add3A_228 : vector<16xi32>
        %gather3A_230 = tpu.vector_load_idx %arg10[%add3A_229] : memref<272xf32, #tpu.memory_space<vmem>>[vector<16xi32>], vector<16xf32>,
        %add3A_231 = arith.addf %add3A_226, %gather3A_230 : vector<16xf32>
        %add3A_232 = arith.constant 15 : i32
        %add3A_233 = vector.broadcast %add3A_232 : i32 to vector<16xi32>
        %add3A_234 = arith.addi %mul3A_85, %add3A_233 : vector<16xi32>
        %gather3A_235 = tpu.vector_load_idx %arg10[%add3A_234] : memref<272xf32, #tpu.memory_space<vmem>>[vector<16xi32>], vector<16xf32>,
        %add3A_236 = arith.addf %add3A_231, %gather3A_235 : vector<16xf32>
        %mul3A_237 = arith.constant 128 : i32
        %mul3A_238 = arith.muli %add3A_51, %mul3A_237 : i32
        %mul3A_239 = arith.constant 16 : i32
        %mul3A_240 = arith.muli %scan3A_148, %mul3A_239 : i32
        %add3A_241 = arith.addi %mul3A_238, %mul3A_240 : i32
        %swap3A = arith.index_cast %add3A_241 : i32 to index
        %swap3A_242 = tpu.vector_load %arg9[%swap3A] {strides = array<i32>} : memref<10240xf32, #tpu.memory_space<vmem>>, vector<16xf32>,
        tpu.vector_store %arg9[%swap3A], %add3A_236 {strides = array<i32>} : memref<10240xf32, #tpu.memory_space<vmem>>, vector<16xf32>,
        %scan3A_243 = arith.constant 0 : i32
        scf.yield %scan3A_243 : i32
      }
      %scan3A_94 = arith.constant 8 : i32
      %mul3A_95 = arith.constant 2 : i32
      %mul3A_96 = arith.muli %scan3A_46, %mul3A_95 : i32
      %add3A_97 = arith.constant 1 : i32
      %add3A_98 = arith.addi %mul3A_96, %add3A_97 : i32
      %add3A_99 = arith.constant 1 : i32
      %add3A_100 = arith.addi %add3A_98, %add3A_99 : i32
      %lt3A_101 = arith.constant 80 : i32
      %lt3A_102 = arith.cmpi slt, %add3A_100, %lt3A_101 : i32
      %convert_element_type3A_103 = arith.extui %lt3A_102 : i1 to i32
      %cond3A_104 = arith.constant 0 : i32
      %cond3A_105 = arith.cmpi ne, %convert_element_type3A_103, %cond3A_104 : i32
      scf.if %cond3A_105 {
        %add3A_148 = arith.constant 1 : i32
        %add3A_149 = arith.addi %add3A_98, %add3A_148 : i32
        %mul3A_150 = arith.constant 80 : i32
        %mul3A_151 = arith.muli %add3A, %mul3A_150 : i32
        %add3A_152 = arith.addi %mul3A_151, %add3A_149 : i32
        %mul3A_153 = arith.constant 2 : i32
        %mul3A_154 = arith.muli %add3A_152, %mul3A_153 : i32
        %mul3A_155 = arith.constant 128 : i32
        %mul3A_156 = arith.muli %mul3A_154, %mul3A_155 : i32
        %run_scoped3A_157 = arith.constant 0 : i32
        "tpu.region"() ({
          %run_scoped3A_188 = tpu.sem_alloc : memref<!tpu.dma_semaphore, #tpu.memory_space<semaphore_mem>>
          %dma_start3A_189 = arith.constant 0 : i32
          %dma_start3A_190 = tpu.memref_slice %arg6[%run_scoped3A_157, %dma_start3A_189] : memref<2x256xi32, #tpu.memory_space<vmem>> -> memref<1x256xi32, #tpu.memory_space<vmem>>
          %dma_start3A_191 = tpu.memref_squeeze %dma_start3A_190 : memref<1x256xi32, #tpu.memory_space<vmem>> -> memref<256xi32, #tpu.memory_space<vmem>>
          %dma_start3A_192 = tpu.memref_slice %arg3[%mul3A_156] : memref<655360xi32, #tpu.memory_space<hbm>> -> memref<256xi32, #tpu.memory_space<hbm>>
          %dma_start3A_193 = arith.constant 0 : i32
          %dma_start3A_194 = tpu.memref_slice %arg6[%run_scoped3A_157, %dma_start3A_193] : memref<2x256xi32, #tpu.memory_space<vmem>> -> memref<1x256xi32, #tpu.memory_space<vmem>>
          %dma_start3A_195 = tpu.memref_squeeze %dma_start3A_194 : memref<1x256xi32, #tpu.memory_space<vmem>> -> memref<256xi32, #tpu.memory_space<vmem>>
          %dma_start3A_196 = tpu.memref_slice %arg3[%mul3A_156] : memref<655360xi32, #tpu.memory_space<hbm>> -> memref<256xi32, #tpu.memory_space<hbm>>
          tpu.enqueue_dma source(%dma_start3A_196 : memref<256xi32, #tpu.memory_space<hbm>>) target(%dma_start3A_195 : memref<256xi32, #tpu.memory_space<vmem>>) target_semaphore(%run_scoped3A_188 : memref<!tpu.dma_semaphore, #tpu.memory_space<semaphore_mem>>)
          %dma_wait3A_197 = arith.constant 0 : i32
          %dma_wait3A_198 = tpu.memref_slice %arg6[%run_scoped3A_157, %dma_wait3A_197] : memref<2x256xi32, #tpu.memory_space<vmem>> -> memref<1x256xi32, #tpu.memory_space<vmem>>
          %dma_wait3A_199 = tpu.memref_squeeze %dma_wait3A_198 : memref<1x256xi32, #tpu.memory_space<vmem>> -> memref<256xi32, #tpu.memory_space<vmem>>
          %dma_wait3A_200 = tpu.memref_slice %arg3[%mul3A_156] : memref<655360xi32, #tpu.memory_space<hbm>> -> memref<256xi32, #tpu.memory_space<hbm>>
          %dma_wait3A_201 = arith.constant 0 : i32
          %dma_wait3A_202 = tpu.memref_slice %arg6[%run_scoped3A_157, %dma_wait3A_201] : memref<2x256xi32, #tpu.memory_space<vmem>> -> memref<1x256xi32, #tpu.memory_space<vmem>>
          %dma_wait3A_203 = tpu.memref_squeeze %dma_wait3A_202 : memref<1x256xi32, #tpu.memory_space<vmem>> -> memref<256xi32, #tpu.memory_space<vmem>>
          %dma_wait3A_204 = tpu.memref_slice %arg3[%mul3A_156] : memref<655360xi32, #tpu.memory_space<hbm>> -> memref<256xi32, #tpu.memory_space<hbm>>
          tpu.wait_dma2 semaphore(%run_scoped3A_188 : memref<!tpu.dma_semaphore, #tpu.memory_space<semaphore_mem>>) src(%dma_wait3A_204 : memref<256xi32, #tpu.memory_space<hbm>>) dst(%dma_wait3A_203 : memref<256xi32, #tpu.memory_space<vmem>>)
          tpu.yield
        }) : () -> ()
        %add3A_158 = arith.constant 1 : i32
        %add3A_159 = arith.addi %add3A_98, %add3A_158 : i32
        %dma_start3A_160 = arith.constant 0 : i32
        %dma_start3A_161 = arith.constant 0 : i32
        %dma_start3A_162 = arith.constant 0 : i32
        %dma_start3A_163 = arith.constant 0 : i32
        %dma_start3A_164 = tpu.memref_slice %arg7[%dma_start3A_161, %dma_start3A_162, %dma_start3A_163] : memref<2x128x64xi32, #tpu.memory_space<vmem>> -> memref<1x128x64xi32, #tpu.memory_space<vmem>>
        %dma_start3A_165 = tpu.memref_squeeze %dma_start3A_164 : memref<1x128x64xi32, #tpu.memory_space<vmem>> -> memref<128x64xi32, #tpu.memory_space<vmem>>
        %dma_start3A_166 = arith.constant 0 : i32
        %dma_start3A_167 = tpu.memref_slice %arg6[%dma_start3A_160, %dma_start3A_166] : memref<2x256xi32, #tpu.memory_space<vmem>> -> memref<1x256xi32, #tpu.memory_space<vmem>>
        %dma_start3A_168 = tpu.memref_squeeze %dma_start3A_167 : memref<1x256xi32, #tpu.memory_space<vmem>> -> memref<256xi32, #tpu.memory_space<vmem>>
        %dma_start3A_169 = arith.constant 0 : i32
        %dma_start3A_170 = tpu.memref_slice %dma_start3A_168[%dma_start3A_169] : memref<256xi32, #tpu.memory_space<vmem>> -> memref<128xi32, #tpu.memory_space<vmem>>
        %dma_start3A_171 = arith.constant 0 : i32
        %dma_start3A_172 = arith.constant 0 : i32
        %dma_start3A_173 = tpu.memref_slice %arg5[%dma_start3A_171, %dma_start3A_172] : memref<10240x64xi32, #tpu.memory_space<vmem_shared>> -> memref<10240x64xi32, #tpu.memory_space<vmem_shared>>
        tpu.enqueue_indirect_dma source(%dma_start3A_173 : memref<10240x64xi32, #tpu.memory_space<vmem_shared>>) target(%dma_start3A_165 : memref<128x64xi32, #tpu.memory_space<vmem>>) offsets(%dma_start3A_170 : memref<128xi32, #tpu.memory_space<vmem>>) semaphore(%arg11 : memref<!tpu.dma_semaphore, #tpu.memory_space<semaphore_mem>>)
        %dma_start3A_174 = arith.constant 0 : i32
        %dma_start3A_175 = arith.constant 0 : i32
        %dma_start3A_176 = arith.constant 0 : i32
        %dma_start3A_177 = arith.constant 0 : i32
        %dma_start3A_178 = tpu.memref_slice %arg8[%dma_start3A_175, %dma_start3A_176, %dma_start3A_177] : memref<2x128x64xi32, #tpu.memory_space<vmem>> -> memref<1x128x64xi32, #tpu.memory_space<vmem>>
        %dma_start3A_179 = tpu.memref_squeeze %dma_start3A_178 : memref<1x128x64xi32, #tpu.memory_space<vmem>> -> memref<128x64xi32, #tpu.memory_space<vmem>>
        %dma_start3A_180 = arith.constant 0 : i32
        %dma_start3A_181 = tpu.memref_slice %arg6[%dma_start3A_174, %dma_start3A_180] : memref<2x256xi32, #tpu.memory_space<vmem>> -> memref<1x256xi32, #tpu.memory_space<vmem>>
        %dma_start3A_182 = tpu.memref_squeeze %dma_start3A_181 : memref<1x256xi32, #tpu.memory_space<vmem>> -> memref<256xi32, #tpu.memory_space<vmem>>
        %dma_start3A_183 = arith.constant 128 : i32
        %dma_start3A_184 = tpu.memref_slice %dma_start3A_182[%dma_start3A_183] : memref<256xi32, #tpu.memory_space<vmem>> -> memref<128xi32, #tpu.memory_space<vmem>>
        %dma_start3A_185 = arith.constant 0 : i32
        %dma_start3A_186 = arith.constant 0 : i32
        %dma_start3A_187 = tpu.memref_slice %arg5[%dma_start3A_185, %dma_start3A_186] : memref<10240x64xi32, #tpu.memory_space<vmem_shared>> -> memref<10240x64xi32, #tpu.memory_space<vmem_shared>>
        tpu.enqueue_indirect_dma source(%dma_start3A_187 : memref<10240x64xi32, #tpu.memory_space<vmem_shared>>) target(%dma_start3A_179 : memref<128x64xi32, #tpu.memory_space<vmem>>) offsets(%dma_start3A_184 : memref<128xi32, #tpu.memory_space<vmem>>) semaphore(%arg13 : memref<!tpu.dma_semaphore, #tpu.memory_space<semaphore_mem>>)
      } else {
      }
      %dma_wait3A_106 = arith.constant 1 : i32
      %dma_wait3A_107 = arith.constant 1 : i32
      %dma_wait3A_108 = arith.constant 0 : i32
      %dma_wait3A_109 = arith.constant 0 : i32
      %dma_wait3A_110 = tpu.memref_slice %arg7[%dma_wait3A_107, %dma_wait3A_108, %dma_wait3A_109] : memref<2x128x64xi32, #tpu.memory_space<vmem>> -> memref<1x128x64xi32, #tpu.memory_space<vmem>>
      %dma_wait3A_111 = tpu.memref_squeeze %dma_wait3A_110 : memref<1x128x64xi32, #tpu.memory_space<vmem>> -> memref<128x64xi32, #tpu.memory_space<vmem>>
      %dma_wait3A_112 = arith.constant 0 : i32
      %dma_wait3A_113 = tpu.memref_slice %arg6[%dma_wait3A_106, %dma_wait3A_112] : memref<2x256xi32, #tpu.memory_space<vmem>> -> memref<1x256xi32, #tpu.memory_space<vmem>>
      %dma_wait3A_114 = tpu.memref_squeeze %dma_wait3A_113 : memref<1x256xi32, #tpu.memory_space<vmem>> -> memref<256xi32, #tpu.memory_space<vmem>>
      %dma_wait3A_115 = arith.constant 0 : i32
      %dma_wait3A_116 = tpu.memref_slice %dma_wait3A_114[%dma_wait3A_115] : memref<256xi32, #tpu.memory_space<vmem>> -> memref<128xi32, #tpu.memory_space<vmem>>
      %dma_wait3A_117 = arith.constant 0 : i32
      %dma_wait3A_118 = arith.constant 0 : i32
      %dma_wait3A_119 = tpu.memref_slice %arg5[%dma_wait3A_117, %dma_wait3A_118] : memref<10240x64xi32, #tpu.memory_space<vmem_shared>> -> memref<10240x64xi32, #tpu.memory_space<vmem_shared>>
      tpu.wait_indirect_dma semaphore(%arg12 : memref<!tpu.dma_semaphore, #tpu.memory_space<semaphore_mem>>) src(%dma_wait3A_119 : memref<10240x64xi32, #tpu.memory_space<vmem_shared>>) dst(%dma_wait3A_111 : memref<128x64xi32, #tpu.memory_space<vmem>>)
      %dma_wait3A_120 = arith.constant 1 : i32
      %dma_wait3A_121 = arith.constant 1 : i32
      %dma_wait3A_122 = arith.constant 0 : i32
      %dma_wait3A_123 = arith.constant 0 : i32
      %dma_wait3A_124 = tpu.memref_slice %arg8[%dma_wait3A_121, %dma_wait3A_122, %dma_wait3A_123] : memref<2x128x64xi32, #tpu.memory_space<vmem>> -> memref<1x128x64xi32, #tpu.memory_space<vmem>>
      %dma_wait3A_125 = tpu.memref_squeeze %dma_wait3A_124 : memref<1x128x64xi32, #tpu.memory_space<vmem>> -> memref<128x64xi32, #tpu.memory_space<vmem>>
      %dma_wait3A_126 = arith.constant 0 : i32
      %dma_wait3A_127 = tpu.memref_slice %arg6[%dma_wait3A_120, %dma_wait3A_126] : memref<2x256xi32, #tpu.memory_space<vmem>> -> memref<1x256xi32, #tpu.memory_space<vmem>>
      %dma_wait3A_128 = tpu.memref_squeeze %dma_wait3A_127 : memref<1x256xi32, #tpu.memory_space<vmem>> -> memref<256xi32, #tpu.memory_space<vmem>>
      %dma_wait3A_129 = arith.constant 128 : i32
      %dma_wait3A_130 = tpu.memref_slice %dma_wait3A_128[%dma_wait3A_129] : memref<256xi32, #tpu.memory_space<vmem>> -> memref<128xi32, #tpu.memory_space<vmem>>
      %dma_wait3A_131 = arith.constant 0 : i32
      %dma_wait3A_132 = arith.constant 0 : i32
      %dma_wait3A_133 = tpu.memref_slice %arg5[%dma_wait3A_131, %dma_wait3A_132] : memref<10240x64xi32, #tpu.memory_space<vmem_shared>> -> memref<10240x64xi32, #tpu.memory_space<vmem_shared>>
      tpu.wait_indirect_dma semaphore(%arg14 : memref<!tpu.dma_semaphore, #tpu.memory_space<semaphore_mem>>) src(%dma_wait3A_133 : memref<10240x64xi32, #tpu.memory_space<vmem_shared>>) dst(%dma_wait3A_125 : memref<128x64xi32, #tpu.memory_space<vmem>>)
      %iota3A_134 = tpu.iota {dimensions = array<i32: 0>} : vector<16xi32>
      %mul3A_135 = arith.constant 17 : i32
      %mul3A_136 = vector.broadcast %mul3A_135 : i32 to vector<16xi32>
      %mul3A_137 = arith.muli %iota3A_134, %mul3A_136 : vector<16xi32>
      %scan3A_138 = arith.constant 1 : i32
      %scan3A_139 = arith.constant 1 : i32
      %scan3A_140 = arith.constant 0 : i32
      %scan3A_141 = arith.constant 0 : i32
      %scan3A_142 = arith.constant 8 : i32
      %scan3A_143 = arith.addi %scan3A_141, %scan3A_142 : i32
      %scan3A_144 = arith.constant 1 : i32
      %scan3A_145 = scf.for %scan3A_148 = %scan3A_141 to %scan3A_143 step %scan3A_144 iter_args(%scan3A_149 = %scan3A_140) -> (i32)  : i32 {
        %scan3A_150 = arith.constant 0 : i32
        %scan3A_151 = arith.constant 0 : i32
        %scan3A_152 = arith.constant 16 : i32
        %scan3A_153 = arith.addi %scan3A_151, %scan3A_152 : i32
        %scan3A_154 = arith.constant 1 : i32
        %scan3A_155 = scf.for %scan3A_244 = %scan3A_151 to %scan3A_153 step %scan3A_154 iter_args(%scan3A_245 = %scan3A_150) -> (i32)  : i32 {
          %mul3A_246 = arith.constant 16 : i32
          %mul3A_247 = arith.muli %scan3A_148, %mul3A_246 : i32
          %add3A_248 = arith.addi %mul3A_247, %scan3A_244 : i32
          %get3A = arith.constant 0 : i32
          %get3A_249 = arith.constant 0 : i32
          %get3A_250 = tpu.memref_slice %arg7[%scan3A_138, %get3A, %get3A_249] : memref<2x128x64xi32, #tpu.memory_space<vmem>> -> memref<1x128x64xi32, #tpu.memory_space<vmem>>
          %get3A_251 = tpu.memref_squeeze %get3A_250 : memref<1x128x64xi32, #tpu.memory_space<vmem>> -> memref<128x64xi32, #tpu.memory_space<vmem>>
          %get3A_252 = arith.index_cast %add3A_248 : i32 to index
          %get3A_253 = arith.constant 0 : index
          %get3A_254 = tpu.vector_load %get3A_251[%get3A_252, %get3A_253] {strides = array<i32>} : memref<128x64xi32, #tpu.memory_space<vmem>>, vector<16xi32>,
          %get3A_255 = arith.constant 0 : i32
          %get3A_256 = arith.constant 0 : i32
          %get3A_257 = tpu.memref_slice %arg8[%scan3A_139, %get3A_255, %get3A_256] : memref<2x128x64xi32, #tpu.memory_space<vmem>> -> memref<1x128x64xi32, #tpu.memory_space<vmem>>
          %get3A_258 = tpu.memref_squeeze %get3A_257 : memref<1x128x64xi32, #tpu.memory_space<vmem>> -> memref<128x64xi32, #tpu.memory_space<vmem>>
          %get3A_259 = arith.index_cast %add3A_248 : i32 to index
          %get3A_260 = arith.constant 0 : index
          %get3A_261 = tpu.vector_load %get3A_258[%get3A_259, %get3A_260] {strides = array<i32>} : memref<128x64xi32, #tpu.memory_space<vmem>>, vector<16xi32>,
          %bitcast3A = vector.bitcast %get3A_254 : vector<16xi32> to vector<32xbf16>
          %bitcast3A_262 = vector.bitcast %get3A_261 : vector<16xi32> to vector<32xbf16>
          %mul3A_263 = arith.mulf %bitcast3A, %bitcast3A_262 : vector<32xbf16>
          %unpack3A = tpu.unpack_subelements %mul3A_263, 0 {pack_format = #tpu.pack_format<interleaved>} : vector<32xbf16> -> vector<16xf32>
          %unpack3A_264 = tpu.unpack_subelements %mul3A_263, 1 {pack_format = #tpu.pack_format<interleaved>} : vector<32xbf16> -> vector<16xf32>
          %get3A_265 = arith.constant 0 : i32
          %get3A_266 = arith.constant 0 : i32
          %get3A_267 = tpu.memref_slice %arg7[%scan3A_138, %get3A_265, %get3A_266] : memref<2x128x64xi32, #tpu.memory_space<vmem>> -> memref<1x128x64xi32, #tpu.memory_space<vmem>>
          %get3A_268 = tpu.memref_squeeze %get3A_267 : memref<1x128x64xi32, #tpu.memory_space<vmem>> -> memref<128x64xi32, #tpu.memory_space<vmem>>
          %get3A_269 = arith.index_cast %add3A_248 : i32 to index
          %get3A_270 = arith.constant 16 : index
          %get3A_271 = tpu.vector_load %get3A_268[%get3A_269, %get3A_270] {strides = array<i32>} : memref<128x64xi32, #tpu.memory_space<vmem>>, vector<16xi32>,
          %get3A_272 = arith.constant 0 : i32
          %get3A_273 = arith.constant 0 : i32
          %get3A_274 = tpu.memref_slice %arg8[%scan3A_139, %get3A_272, %get3A_273] : memref<2x128x64xi32, #tpu.memory_space<vmem>> -> memref<1x128x64xi32, #tpu.memory_space<vmem>>
          %get3A_275 = tpu.memref_squeeze %get3A_274 : memref<1x128x64xi32, #tpu.memory_space<vmem>> -> memref<128x64xi32, #tpu.memory_space<vmem>>
          %get3A_276 = arith.index_cast %add3A_248 : i32 to index
          %get3A_277 = arith.constant 16 : index
          %get3A_278 = tpu.vector_load %get3A_275[%get3A_276, %get3A_277] {strides = array<i32>} : memref<128x64xi32, #tpu.memory_space<vmem>>, vector<16xi32>,
          %bitcast3A_279 = vector.bitcast %get3A_271 : vector<16xi32> to vector<32xbf16>
          %bitcast3A_280 = vector.bitcast %get3A_278 : vector<16xi32> to vector<32xbf16>
          %mul3A_281 = arith.mulf %bitcast3A_279, %bitcast3A_280 : vector<32xbf16>
          %unpack3A_282 = tpu.unpack_subelements %mul3A_281, 0 {pack_format = #tpu.pack_format<interleaved>} : vector<32xbf16> -> vector<16xf32>
          %unpack3A_283 = tpu.unpack_subelements %mul3A_281, 1 {pack_format = #tpu.pack_format<interleaved>} : vector<32xbf16> -> vector<16xf32>
          %get3A_284 = arith.constant 0 : i32
          %get3A_285 = arith.constant 0 : i32
          %get3A_286 = tpu.memref_slice %arg7[%scan3A_138, %get3A_284, %get3A_285] : memref<2x128x64xi32, #tpu.memory_space<vmem>> -> memref<1x128x64xi32, #tpu.memory_space<vmem>>
          %get3A_287 = tpu.memref_squeeze %get3A_286 : memref<1x128x64xi32, #tpu.memory_space<vmem>> -> memref<128x64xi32, #tpu.memory_space<vmem>>
          %get3A_288 = arith.index_cast %add3A_248 : i32 to index
          %get3A_289 = arith.constant 32 : index
          %get3A_290 = tpu.vector_load %get3A_287[%get3A_288, %get3A_289] {strides = array<i32>} : memref<128x64xi32, #tpu.memory_space<vmem>>, vector<16xi32>,
          %get3A_291 = arith.constant 0 : i32
          %get3A_292 = arith.constant 0 : i32
          %get3A_293 = tpu.memref_slice %arg8[%scan3A_139, %get3A_291, %get3A_292] : memref<2x128x64xi32, #tpu.memory_space<vmem>> -> memref<1x128x64xi32, #tpu.memory_space<vmem>>
          %get3A_294 = tpu.memref_squeeze %get3A_293 : memref<1x128x64xi32, #tpu.memory_space<vmem>> -> memref<128x64xi32, #tpu.memory_space<vmem>>
          %get3A_295 = arith.index_cast %add3A_248 : i32 to index
          %get3A_296 = arith.constant 32 : index
          %get3A_297 = tpu.vector_load %get3A_294[%get3A_295, %get3A_296] {strides = array<i32>} : memref<128x64xi32, #tpu.memory_space<vmem>>, vector<16xi32>,
          %bitcast3A_298 = vector.bitcast %get3A_290 : vector<16xi32> to vector<32xbf16>
          %bitcast3A_299 = vector.bitcast %get3A_297 : vector<16xi32> to vector<32xbf16>
          %mul3A_300 = arith.mulf %bitcast3A_298, %bitcast3A_299 : vector<32xbf16>
          %unpack3A_301 = tpu.unpack_subelements %mul3A_300, 0 {pack_format = #tpu.pack_format<interleaved>} : vector<32xbf16> -> vector<16xf32>
          %unpack3A_302 = tpu.unpack_subelements %mul3A_300, 1 {pack_format = #tpu.pack_format<interleaved>} : vector<32xbf16> -> vector<16xf32>
          %get3A_303 = arith.constant 0 : i32
          %get3A_304 = arith.constant 0 : i32
          %get3A_305 = tpu.memref_slice %arg7[%scan3A_138, %get3A_303, %get3A_304] : memref<2x128x64xi32, #tpu.memory_space<vmem>> -> memref<1x128x64xi32, #tpu.memory_space<vmem>>
          %get3A_306 = tpu.memref_squeeze %get3A_305 : memref<1x128x64xi32, #tpu.memory_space<vmem>> -> memref<128x64xi32, #tpu.memory_space<vmem>>
          %get3A_307 = arith.index_cast %add3A_248 : i32 to index
          %get3A_308 = arith.constant 48 : index
          %get3A_309 = tpu.vector_load %get3A_306[%get3A_307, %get3A_308] {strides = array<i32>} : memref<128x64xi32, #tpu.memory_space<vmem>>, vector<16xi32>,
          %get3A_310 = arith.constant 0 : i32
          %get3A_311 = arith.constant 0 : i32
          %get3A_312 = tpu.memref_slice %arg8[%scan3A_139, %get3A_310, %get3A_311] : memref<2x128x64xi32, #tpu.memory_space<vmem>> -> memref<1x128x64xi32, #tpu.memory_space<vmem>>
          %get3A_313 = tpu.memref_squeeze %get3A_312 : memref<1x128x64xi32, #tpu.memory_space<vmem>> -> memref<128x64xi32, #tpu.memory_space<vmem>>
          %get3A_314 = arith.index_cast %add3A_248 : i32 to index
          %get3A_315 = arith.constant 48 : index
          %get3A_316 = tpu.vector_load %get3A_313[%get3A_314, %get3A_315] {strides = array<i32>} : memref<128x64xi32, #tpu.memory_space<vmem>>, vector<16xi32>,
          %bitcast3A_317 = vector.bitcast %get3A_309 : vector<16xi32> to vector<32xbf16>
          %bitcast3A_318 = vector.bitcast %get3A_316 : vector<16xi32> to vector<32xbf16>
          %mul3A_319 = arith.mulf %bitcast3A_317, %bitcast3A_318 : vector<32xbf16>
          %unpack3A_320 = tpu.unpack_subelements %mul3A_319, 0 {pack_format = #tpu.pack_format<interleaved>} : vector<32xbf16> -> vector<16xf32>
          %unpack3A_321 = tpu.unpack_subelements %mul3A_319, 1 {pack_format = #tpu.pack_format<interleaved>} : vector<32xbf16> -> vector<16xf32>
          %add3A_322 = arith.addf %unpack3A, %unpack3A_264 : vector<16xf32>
          %add3A_323 = arith.addf %unpack3A_282, %unpack3A_283 : vector<16xf32>
          %add3A_324 = arith.addf %unpack3A_301, %unpack3A_302 : vector<16xf32>
          %add3A_325 = arith.addf %unpack3A_320, %unpack3A_321 : vector<16xf32>
          %add3A_326 = arith.addf %add3A_322, %add3A_323 : vector<16xf32>
          %add3A_327 = arith.addf %add3A_324, %add3A_325 : vector<16xf32>
          %add3A_328 = arith.addf %add3A_326, %add3A_327 : vector<16xf32>
          %mul3A_329 = arith.constant 17 : i32
          %mul3A_330 = arith.muli %scan3A_244, %mul3A_329 : i32
          %swap3A_331 = arith.index_cast %mul3A_330 : i32 to index
          %swap3A_332 = tpu.vector_load %arg10[%swap3A_331] {strides = array<i32>} : memref<272xf32, #tpu.memory_space<vmem>>, vector<16xf32>,
          tpu.vector_store %arg10[%swap3A_331], %add3A_328 {strides = array<i32>} : memref<272xf32, #tpu.memory_space<vmem>>, vector<16xf32>,
          %scan3A_333 = arith.constant 0 : i32
          scf.yield %scan3A_333 : i32
        }
        %scan3A_156 = arith.constant 16 : i32
        %broadcast_in_dim3A = arith.constant 0.000000e+00 : f32
        %broadcast_in_dim3A_157 = vector.broadcast %broadcast_in_dim3A : f32 to vector<16xf32>
        %add3A_158 = arith.constant 0 : i32
        %add3A_159 = vector.broadcast %add3A_158 : i32 to vector<16xi32>
        %add3A_160 = arith.addi %mul3A_137, %add3A_159 : vector<16xi32>
        %gather3A = tpu.vector_load_idx %arg10[%add3A_160] : memref<272xf32, #tpu.memory_space<vmem>>[vector<16xi32>], vector<16xf32>,
        %add3A_161 = arith.addf %broadcast_in_dim3A_157, %gather3A : vector<16xf32>
        %add3A_162 = arith.constant 1 : i32
        %add3A_163 = vector.broadcast %add3A_162 : i32 to vector<16xi32>
        %add3A_164 = arith.addi %mul3A_137, %add3A_163 : vector<16xi32>
        %gather3A_165 = tpu.vector_load_idx %arg10[%add3A_164] : memref<272xf32, #tpu.memory_space<vmem>>[vector<16xi32>], vector<16xf32>,
        %add3A_166 = arith.addf %add3A_161, %gather3A_165 : vector<16xf32>
        %add3A_167 = arith.constant 2 : i32
        %add3A_168 = vector.broadcast %add3A_167 : i32 to vector<16xi32>
        %add3A_169 = arith.addi %mul3A_137, %add3A_168 : vector<16xi32>
        %gather3A_170 = tpu.vector_load_idx %arg10[%add3A_169] : memref<272xf32, #tpu.memory_space<vmem>>[vector<16xi32>], vector<16xf32>,
        %add3A_171 = arith.addf %add3A_166, %gather3A_170 : vector<16xf32>
        %add3A_172 = arith.constant 3 : i32
        %add3A_173 = vector.broadcast %add3A_172 : i32 to vector<16xi32>
        %add3A_174 = arith.addi %mul3A_137, %add3A_173 : vector<16xi32>
        %gather3A_175 = tpu.vector_load_idx %arg10[%add3A_174] : memref<272xf32, #tpu.memory_space<vmem>>[vector<16xi32>], vector<16xf32>,
        %add3A_176 = arith.addf %add3A_171, %gather3A_175 : vector<16xf32>
        %add3A_177 = arith.constant 4 : i32
        %add3A_178 = vector.broadcast %add3A_177 : i32 to vector<16xi32>
        %add3A_179 = arith.addi %mul3A_137, %add3A_178 : vector<16xi32>
        %gather3A_180 = tpu.vector_load_idx %arg10[%add3A_179] : memref<272xf32, #tpu.memory_space<vmem>>[vector<16xi32>], vector<16xf32>,
        %add3A_181 = arith.addf %add3A_176, %gather3A_180 : vector<16xf32>
        %add3A_182 = arith.constant 5 : i32
        %add3A_183 = vector.broadcast %add3A_182 : i32 to vector<16xi32>
        %add3A_184 = arith.addi %mul3A_137, %add3A_183 : vector<16xi32>
        %gather3A_185 = tpu.vector_load_idx %arg10[%add3A_184] : memref<272xf32, #tpu.memory_space<vmem>>[vector<16xi32>], vector<16xf32>,
        %add3A_186 = arith.addf %add3A_181, %gather3A_185 : vector<16xf32>
        %add3A_187 = arith.constant 6 : i32
        %add3A_188 = vector.broadcast %add3A_187 : i32 to vector<16xi32>
        %add3A_189 = arith.addi %mul3A_137, %add3A_188 : vector<16xi32>
        %gather3A_190 = tpu.vector_load_idx %arg10[%add3A_189] : memref<272xf32, #tpu.memory_space<vmem>>[vector<16xi32>], vector<16xf32>,
        %add3A_191 = arith.addf %add3A_186, %gather3A_190 : vector<16xf32>
        %add3A_192 = arith.constant 7 : i32
        %add3A_193 = vector.broadcast %add3A_192 : i32 to vector<16xi32>
        %add3A_194 = arith.addi %mul3A_137, %add3A_193 : vector<16xi32>
        %gather3A_195 = tpu.vector_load_idx %arg10[%add3A_194] : memref<272xf32, #tpu.memory_space<vmem>>[vector<16xi32>], vector<16xf32>,
        %add3A_196 = arith.addf %add3A_191, %gather3A_195 : vector<16xf32>
        %add3A_197 = arith.constant 8 : i32
        %add3A_198 = vector.broadcast %add3A_197 : i32 to vector<16xi32>
        %add3A_199 = arith.addi %mul3A_137, %add3A_198 : vector<16xi32>
        %gather3A_200 = tpu.vector_load_idx %arg10[%add3A_199] : memref<272xf32, #tpu.memory_space<vmem>>[vector<16xi32>], vector<16xf32>,
        %add3A_201 = arith.addf %add3A_196, %gather3A_200 : vector<16xf32>
        %add3A_202 = arith.constant 9 : i32
        %add3A_203 = vector.broadcast %add3A_202 : i32 to vector<16xi32>
        %add3A_204 = arith.addi %mul3A_137, %add3A_203 : vector<16xi32>
        %gather3A_205 = tpu.vector_load_idx %arg10[%add3A_204] : memref<272xf32, #tpu.memory_space<vmem>>[vector<16xi32>], vector<16xf32>,
        %add3A_206 = arith.addf %add3A_201, %gather3A_205 : vector<16xf32>
        %add3A_207 = arith.constant 10 : i32
        %add3A_208 = vector.broadcast %add3A_207 : i32 to vector<16xi32>
        %add3A_209 = arith.addi %mul3A_137, %add3A_208 : vector<16xi32>
        %gather3A_210 = tpu.vector_load_idx %arg10[%add3A_209] : memref<272xf32, #tpu.memory_space<vmem>>[vector<16xi32>], vector<16xf32>,
        %add3A_211 = arith.addf %add3A_206, %gather3A_210 : vector<16xf32>
        %add3A_212 = arith.constant 11 : i32
        %add3A_213 = vector.broadcast %add3A_212 : i32 to vector<16xi32>
        %add3A_214 = arith.addi %mul3A_137, %add3A_213 : vector<16xi32>
        %gather3A_215 = tpu.vector_load_idx %arg10[%add3A_214] : memref<272xf32, #tpu.memory_space<vmem>>[vector<16xi32>], vector<16xf32>,
        %add3A_216 = arith.addf %add3A_211, %gather3A_215 : vector<16xf32>
        %add3A_217 = arith.constant 12 : i32
        %add3A_218 = vector.broadcast %add3A_217 : i32 to vector<16xi32>
        %add3A_219 = arith.addi %mul3A_137, %add3A_218 : vector<16xi32>
        %gather3A_220 = tpu.vector_load_idx %arg10[%add3A_219] : memref<272xf32, #tpu.memory_space<vmem>>[vector<16xi32>], vector<16xf32>,
        %add3A_221 = arith.addf %add3A_216, %gather3A_220 : vector<16xf32>
        %add3A_222 = arith.constant 13 : i32
        %add3A_223 = vector.broadcast %add3A_222 : i32 to vector<16xi32>
        %add3A_224 = arith.addi %mul3A_137, %add3A_223 : vector<16xi32>
        %gather3A_225 = tpu.vector_load_idx %arg10[%add3A_224] : memref<272xf32, #tpu.memory_space<vmem>>[vector<16xi32>], vector<16xf32>,
        %add3A_226 = arith.addf %add3A_221, %gather3A_225 : vector<16xf32>
        %add3A_227 = arith.constant 14 : i32
        %add3A_228 = vector.broadcast %add3A_227 : i32 to vector<16xi32>
        %add3A_229 = arith.addi %mul3A_137, %add3A_228 : vector<16xi32>
        %gather3A_230 = tpu.vector_load_idx %arg10[%add3A_229] : memref<272xf32, #tpu.memory_space<vmem>>[vector<16xi32>], vector<16xf32>,
        %add3A_231 = arith.addf %add3A_226, %gather3A_230 : vector<16xf32>
        %add3A_232 = arith.constant 15 : i32
        %add3A_233 = vector.broadcast %add3A_232 : i32 to vector<16xi32>
        %add3A_234 = arith.addi %mul3A_137, %add3A_233 : vector<16xi32>
        %gather3A_235 = tpu.vector_load_idx %arg10[%add3A_234] : memref<272xf32, #tpu.memory_space<vmem>>[vector<16xi32>], vector<16xf32>,
        %add3A_236 = arith.addf %add3A_231, %gather3A_235 : vector<16xf32>
        %mul3A_237 = arith.constant 128 : i32
        %mul3A_238 = arith.muli %add3A_98, %mul3A_237 : i32
        %mul3A_239 = arith.constant 16 : i32
        %mul3A_240 = arith.muli %scan3A_148, %mul3A_239 : i32
        %add3A_241 = arith.addi %mul3A_238, %mul3A_240 : i32
        %swap3A = arith.index_cast %add3A_241 : i32 to index
        %swap3A_242 = tpu.vector_load %arg9[%swap3A] {strides = array<i32>} : memref<10240xf32, #tpu.memory_space<vmem>>, vector<16xf32>,
        tpu.vector_store %arg9[%swap3A], %add3A_236 {strides = array<i32>} : memref<10240xf32, #tpu.memory_space<vmem>>, vector<16xf32>,
        %scan3A_243 = arith.constant 0 : i32
        scf.yield %scan3A_243 : i32
      }
      %scan3A_146 = arith.constant 8 : i32
      %scan3A_147 = arith.constant 0 : i32
      scf.yield %scan3A_147 : i32
    }
    %scan3A_43 = arith.constant 40 : i32
    %mul3A_44 = arith.constant 10240 : i32
    %mul3A_45 = arith.muli %add3A, %mul3A_44 : i32
    "tpu.region"() ({
      %run_scoped3A_46 = tpu.sem_alloc : memref<!tpu.dma_semaphore, #tpu.memory_space<semaphore_mem>>
      %dma_start3A_47 = tpu.memref_slice %arg4[%mul3A_45] : memref<327680xf32, #tpu.memory_space<hbm>> -> memref<10240xf32, #tpu.memory_space<hbm>>
      %dma_start3A_48 = tpu.memref_slice %arg4[%mul3A_45] : memref<327680xf32, #tpu.memory_space<hbm>> -> memref<10240xf32, #tpu.memory_space<hbm>>
      tpu.enqueue_dma source(%arg9 : memref<10240xf32, #tpu.memory_space<vmem>>) target(%dma_start3A_48 : memref<10240xf32, #tpu.memory_space<hbm>>) target_semaphore(%run_scoped3A_46 : memref<!tpu.dma_semaphore, #tpu.memory_space<semaphore_mem>>)
      %dma_wait3A = tpu.memref_slice %arg4[%mul3A_45] : memref<327680xf32, #tpu.memory_space<hbm>> -> memref<10240xf32, #tpu.memory_space<hbm>>
      %dma_wait3A_49 = tpu.memref_slice %arg4[%mul3A_45] : memref<327680xf32, #tpu.memory_space<hbm>> -> memref<10240xf32, #tpu.memory_space<hbm>>
      tpu.wait_dma2 semaphore(%run_scoped3A_46 : memref<!tpu.dma_semaphore, #tpu.memory_space<semaphore_mem>>) src(%arg9 : memref<10240xf32, #tpu.memory_space<vmem>>) dst(%dma_wait3A_49 : memref<10240xf32, #tpu.memory_space<hbm>>)
      tpu.yield
    }) : () -> ()
    return
  }
}

#map = affine_map<(d0, d1) -> (0, 0)>
#map1 = affine_map<(d0, d1) -> (0)>
module attributes {stable_mosaic.version = 14 : i64} {
  func.func @_build_table_body(%arg0: i32, %arg1: i32, %arg2: memref<2048x128xf32, #tpu.memory_space<hbm>>, %arg3: memref<2048xi32, #tpu.memory_space<hbm>>, %arg4: memref<8x128xf32, #tpu.memory_space<hbm>>, %arg5: memref<8192x128xf32, #tpu.memory_space<hbm>>, %arg6: memref<8192xi32, #tpu.memory_space<hbm>>, %arg7: memref<1024x128xf32, #tpu.memory_space<hbm>>, %arg8: memref<8192xi32, #tpu.memory_space<hbm>>, %arg9: memref<2048x128xf32, #tpu.memory_space<hbm>>, %arg10: memref<8192xi32, #tpu.memory_space<hbm>>, %arg11: memref<16x128xf32, #tpu.memory_space<hbm>>, %arg12: memref<10240x64xi32, #tpu.memory_space<hbm>>, %arg13: memref<1024x128xf32, #tpu.memory_space<vmem_shared>>, %arg14: memref<2048x128xf32, #tpu.memory_space<vmem_shared>>, %arg15: memref<16x128xf32, #tpu.memory_space<vmem_shared>>, %arg16: memref<8x128xf32, #tpu.memory_space<vmem_shared>>, %arg17: memref<64xi32, #tpu.memory_space<vmem>>, %arg18: memref<128xi32, #tpu.memory_space<vmem>>, %arg19: memref<64x128xf32, #tpu.memory_space<vmem>>, %arg20: memref<128x128xf32, #tpu.memory_space<vmem>>, %arg21: memref<128x64xi32, #tpu.memory_space<vmem>>, %arg22: memref<!tpu.dma_semaphore, #tpu.memory_space<semaphore_mem>>) attributes {dimension_semantics = [#tpu.dimension_semantics<core_parallel>, #tpu.dimension_semantics<subcore_parallel>], iteration_bounds = array<i64: 2, 16>, scalar_prefetch = 0 : i64, scratch_operands = 10 : i64, tpu.core_type = #tpu.core_type<sc_vector_subcore>, window_params = [{transform_indices = #map}, {transform_indices = #map1}, {transform_indices = #map}, {transform_indices = #map}, {transform_indices = #map1}, {transform_indices = #map}, {transform_indices = #map1}, {transform_indices = #map}, {transform_indices = #map1}, {transform_indices = #map}, {transform_indices = #map}]} {
    %mul3A = arith.constant 16 : i32
    %mul3A_0 = arith.muli %arg0, %mul3A : i32
    %add3A = arith.addi %mul3A_0, %arg1 : i32
    %mul3A_1 = arith.constant 64 : i32
    %mul3A_2 = arith.muli %arg1, %mul3A_1 : i32
    "tpu.region"() ({
      %run_scoped3A = tpu.sem_alloc : memref<!tpu.dma_semaphore, #tpu.memory_space<semaphore_mem>>
      %dma_start3A_81 = arith.constant 0 : i32
      %dma_start3A_82 = tpu.memref_slice %arg13[%mul3A_2, %dma_start3A_81] : memref<1024x128xf32, #tpu.memory_space<vmem_shared>> -> memref<64x128xf32, #tpu.memory_space<vmem_shared>>
      %dma_start3A_83 = arith.constant 0 : i32
      %dma_start3A_84 = tpu.memref_slice %arg7[%mul3A_2, %dma_start3A_83] : memref<1024x128xf32, #tpu.memory_space<hbm>> -> memref<64x128xf32, #tpu.memory_space<hbm>>
      tpu.enqueue_dma source(%dma_start3A_84 : memref<64x128xf32, #tpu.memory_space<hbm>>) target(%dma_start3A_82 : memref<64x128xf32, #tpu.memory_space<vmem_shared>>) target_semaphore(%run_scoped3A : memref<!tpu.dma_semaphore, #tpu.memory_space<semaphore_mem>>)
      %dma_wait3A_85 = arith.constant 0 : i32
      %dma_wait3A_86 = tpu.memref_slice %arg13[%mul3A_2, %dma_wait3A_85] : memref<1024x128xf32, #tpu.memory_space<vmem_shared>> -> memref<64x128xf32, #tpu.memory_space<vmem_shared>>
      %dma_wait3A_87 = arith.constant 0 : i32
      %dma_wait3A_88 = tpu.memref_slice %arg7[%mul3A_2, %dma_wait3A_87] : memref<1024x128xf32, #tpu.memory_space<hbm>> -> memref<64x128xf32, #tpu.memory_space<hbm>>
      tpu.wait_dma2 semaphore(%run_scoped3A : memref<!tpu.dma_semaphore, #tpu.memory_space<semaphore_mem>>) src(%dma_wait3A_88 : memref<64x128xf32, #tpu.memory_space<hbm>>) dst(%dma_wait3A_86 : memref<64x128xf32, #tpu.memory_space<vmem_shared>>)
      tpu.yield
    }) : () -> ()
    %mul3A_3 = arith.constant 128 : i32
    %mul3A_4 = arith.muli %arg1, %mul3A_3 : i32
    "tpu.region"() ({
      %run_scoped3A = tpu.sem_alloc : memref<!tpu.dma_semaphore, #tpu.memory_space<semaphore_mem>>
      %dma_start3A_81 = arith.constant 0 : i32
      %dma_start3A_82 = tpu.memref_slice %arg14[%mul3A_4, %dma_start3A_81] : memref<2048x128xf32, #tpu.memory_space<vmem_shared>> -> memref<128x128xf32, #tpu.memory_space<vmem_shared>>
      %dma_start3A_83 = arith.constant 0 : i32
      %dma_start3A_84 = tpu.memref_slice %arg9[%mul3A_4, %dma_start3A_83] : memref<2048x128xf32, #tpu.memory_space<hbm>> -> memref<128x128xf32, #tpu.memory_space<hbm>>
      tpu.enqueue_dma source(%dma_start3A_84 : memref<128x128xf32, #tpu.memory_space<hbm>>) target(%dma_start3A_82 : memref<128x128xf32, #tpu.memory_space<vmem_shared>>) target_semaphore(%run_scoped3A : memref<!tpu.dma_semaphore, #tpu.memory_space<semaphore_mem>>)
      %dma_wait3A_85 = arith.constant 0 : i32
      %dma_wait3A_86 = tpu.memref_slice %arg14[%mul3A_4, %dma_wait3A_85] : memref<2048x128xf32, #tpu.memory_space<vmem_shared>> -> memref<128x128xf32, #tpu.memory_space<vmem_shared>>
      %dma_wait3A_87 = arith.constant 0 : i32
      %dma_wait3A_88 = tpu.memref_slice %arg9[%mul3A_4, %dma_wait3A_87] : memref<2048x128xf32, #tpu.memory_space<hbm>> -> memref<128x128xf32, #tpu.memory_space<hbm>>
      tpu.wait_dma2 semaphore(%run_scoped3A : memref<!tpu.dma_semaphore, #tpu.memory_space<semaphore_mem>>) src(%dma_wait3A_88 : memref<128x128xf32, #tpu.memory_space<hbm>>) dst(%dma_wait3A_86 : memref<128x128xf32, #tpu.memory_space<vmem_shared>>)
      tpu.yield
    }) : () -> ()
    %eq3A = arith.constant 0 : i32
    %eq3A_5 = arith.cmpi eq, %arg1, %eq3A : i32
    %convert_element_type3A = arith.extui %eq3A_5 : i1 to i32
    %cond3A = arith.constant 0 : i32
    %cond3A_6 = arith.cmpi ne, %convert_element_type3A, %cond3A : i32
    scf.if %cond3A_6 {
      "tpu.region"() ({
        %run_scoped3A = tpu.sem_alloc : memref<!tpu.dma_semaphore, #tpu.memory_space<semaphore_mem>>
        tpu.enqueue_dma source(%arg11 : memref<16x128xf32, #tpu.memory_space<hbm>>) target(%arg15 : memref<16x128xf32, #tpu.memory_space<vmem_shared>>) target_semaphore(%run_scoped3A : memref<!tpu.dma_semaphore, #tpu.memory_space<semaphore_mem>>)
        tpu.wait_dma2 semaphore(%run_scoped3A : memref<!tpu.dma_semaphore, #tpu.memory_space<semaphore_mem>>) src(%arg11 : memref<16x128xf32, #tpu.memory_space<hbm>>) dst(%arg15 : memref<16x128xf32, #tpu.memory_space<vmem_shared>>)
        tpu.yield
      }) : () -> ()
      "tpu.region"() ({
        %run_scoped3A = tpu.sem_alloc : memref<!tpu.dma_semaphore, #tpu.memory_space<semaphore_mem>>
        tpu.enqueue_dma source(%arg4 : memref<8x128xf32, #tpu.memory_space<hbm>>) target(%arg16 : memref<8x128xf32, #tpu.memory_space<vmem_shared>>) target_semaphore(%run_scoped3A : memref<!tpu.dma_semaphore, #tpu.memory_space<semaphore_mem>>)
        tpu.wait_dma2 semaphore(%run_scoped3A : memref<!tpu.dma_semaphore, #tpu.memory_space<semaphore_mem>>) src(%arg4 : memref<8x128xf32, #tpu.memory_space<hbm>>) dst(%arg16 : memref<8x128xf32, #tpu.memory_space<vmem_shared>>)
        tpu.yield
      }) : () -> ()
    } else {
    }
    %barrier3A = arith.constant 0 : index
    tpu.barrier barrier_id(%barrier3A)
    %mul3A_7 = arith.constant 64 : i32
    %mul3A_8 = arith.muli %add3A, %mul3A_7 : i32
    "tpu.region"() ({
      %run_scoped3A = tpu.sem_alloc : memref<!tpu.dma_semaphore, #tpu.memory_space<semaphore_mem>>
      %dma_start3A_81 = arith.constant 0 : i32
      %dma_start3A_82 = tpu.memref_slice %arg2[%mul3A_8, %dma_start3A_81] : memref<2048x128xf32, #tpu.memory_space<hbm>> -> memref<64x128xf32, #tpu.memory_space<hbm>>
      %dma_start3A_83 = arith.constant 0 : i32
      %dma_start3A_84 = tpu.memref_slice %arg2[%mul3A_8, %dma_start3A_83] : memref<2048x128xf32, #tpu.memory_space<hbm>> -> memref<64x128xf32, #tpu.memory_space<hbm>>
      tpu.enqueue_dma source(%dma_start3A_84 : memref<64x128xf32, #tpu.memory_space<hbm>>) target(%arg19 : memref<64x128xf32, #tpu.memory_space<vmem>>) target_semaphore(%run_scoped3A : memref<!tpu.dma_semaphore, #tpu.memory_space<semaphore_mem>>)
      %dma_wait3A_85 = arith.constant 0 : i32
      %dma_wait3A_86 = tpu.memref_slice %arg2[%mul3A_8, %dma_wait3A_85] : memref<2048x128xf32, #tpu.memory_space<hbm>> -> memref<64x128xf32, #tpu.memory_space<hbm>>
      %dma_wait3A_87 = arith.constant 0 : i32
      %dma_wait3A_88 = tpu.memref_slice %arg2[%mul3A_8, %dma_wait3A_87] : memref<2048x128xf32, #tpu.memory_space<hbm>> -> memref<64x128xf32, #tpu.memory_space<hbm>>
      tpu.wait_dma2 semaphore(%run_scoped3A : memref<!tpu.dma_semaphore, #tpu.memory_space<semaphore_mem>>) src(%dma_wait3A_88 : memref<64x128xf32, #tpu.memory_space<hbm>>) dst(%arg19 : memref<64x128xf32, #tpu.memory_space<vmem>>)
      tpu.yield
    }) : () -> ()
    "tpu.region"() ({
      %run_scoped3A = tpu.sem_alloc : memref<!tpu.dma_semaphore, #tpu.memory_space<semaphore_mem>>
      %dma_start3A_81 = tpu.memref_slice %arg3[%mul3A_8] : memref<2048xi32, #tpu.memory_space<hbm>> -> memref<64xi32, #tpu.memory_space<hbm>>
      %dma_start3A_82 = tpu.memref_slice %arg3[%mul3A_8] : memref<2048xi32, #tpu.memory_space<hbm>> -> memref<64xi32, #tpu.memory_space<hbm>>
      tpu.enqueue_dma source(%dma_start3A_82 : memref<64xi32, #tpu.memory_space<hbm>>) target(%arg17 : memref<64xi32, #tpu.memory_space<vmem>>) target_semaphore(%run_scoped3A : memref<!tpu.dma_semaphore, #tpu.memory_space<semaphore_mem>>)
      %dma_wait3A_83 = tpu.memref_slice %arg3[%mul3A_8] : memref<2048xi32, #tpu.memory_space<hbm>> -> memref<64xi32, #tpu.memory_space<hbm>>
      %dma_wait3A_84 = tpu.memref_slice %arg3[%mul3A_8] : memref<2048xi32, #tpu.memory_space<hbm>> -> memref<64xi32, #tpu.memory_space<hbm>>
      tpu.wait_dma2 semaphore(%run_scoped3A : memref<!tpu.dma_semaphore, #tpu.memory_space<semaphore_mem>>) src(%dma_wait3A_84 : memref<64xi32, #tpu.memory_space<hbm>>) dst(%arg17 : memref<64xi32, #tpu.memory_space<vmem>>)
      tpu.yield
    }) : () -> ()
    %dma_start3A = arith.constant 0 : i32
    %dma_start3A_9 = arith.constant 0 : i32
    %dma_start3A_10 = tpu.memref_slice %arg16[%dma_start3A, %dma_start3A_9] : memref<8x128xf32, #tpu.memory_space<vmem_shared>> -> memref<8x128xf32, #tpu.memory_space<vmem_shared>>
    tpu.enqueue_indirect_dma source(%dma_start3A_10 : memref<8x128xf32, #tpu.memory_space<vmem_shared>>) target(%arg19 : memref<64x128xf32, #tpu.memory_space<vmem>>) offsets(%arg17 : memref<64xi32, #tpu.memory_space<vmem>>) semaphore(%arg22 : memref<!tpu.dma_semaphore, #tpu.memory_space<semaphore_mem>>) {add = true}
    %dma_wait3A = arith.constant 0 : i32
    %dma_wait3A_11 = arith.constant 0 : i32
    %dma_wait3A_12 = tpu.memref_slice %arg16[%dma_wait3A, %dma_wait3A_11] : memref<8x128xf32, #tpu.memory_space<vmem_shared>> -> memref<8x128xf32, #tpu.memory_space<vmem_shared>>
    tpu.wait_indirect_dma semaphore(%arg22 : memref<!tpu.dma_semaphore, #tpu.memory_space<semaphore_mem>>) src(%dma_wait3A_12 : memref<8x128xf32, #tpu.memory_space<vmem_shared>>) dst(%arg19 : memref<64x128xf32, #tpu.memory_space<vmem>>)
    %scan3A = arith.constant 0 : i32
    %scan3A_13 = arith.constant 0 : i32
    %scan3A_14 = arith.constant 64 : i32
    %scan3A_15 = arith.addi %scan3A_13, %scan3A_14 : i32
    %scan3A_16 = arith.constant 1 : i32
    %scan3A_17 = scf.for %scan3A_81 = %scan3A_13 to %scan3A_15 step %scan3A_16 iter_args(%scan3A_82 = %scan3A) -> (i32)  : i32 {
      %get3A = arith.index_cast %scan3A_81 : i32 to index
      %get3A_83 = arith.constant 0 : index
      %get3A_84 = tpu.vector_load %arg19[%get3A, %get3A_83] {strides = array<i32>} : memref<64x128xf32, #tpu.memory_space<vmem>>, vector<16xf32>,
      %get3A_85 = arith.index_cast %scan3A_81 : i32 to index
      %get3A_86 = arith.constant 16 : index
      %get3A_87 = tpu.vector_load %arg19[%get3A_85, %get3A_86] {strides = array<i32>} : memref<64x128xf32, #tpu.memory_space<vmem>>, vector<16xf32>,
      %pack3A = tpu.pack_subelements %get3A_84, %get3A_87 {pack_format = #tpu.pack_format<interleaved>, positions = array<i32: 0, 1>} : vector<16xf32>, vector<16xf32> -> vector<32xbf16>
      %bitcast3A = vector.bitcast %pack3A : vector<32xbf16> to vector<16xi32>
      %swap3A = arith.index_cast %scan3A_81 : i32 to index
      %swap3A_88 = arith.constant 0 : index
      %swap3A_89 = tpu.vector_load %arg21[%swap3A, %swap3A_88] {strides = array<i32>} : memref<128x64xi32, #tpu.memory_space<vmem>>, vector<16xi32>,
      tpu.vector_store %arg21[%swap3A, %swap3A_88], %bitcast3A {strides = array<i32>} : memref<128x64xi32, #tpu.memory_space<vmem>>, vector<16xi32>,
      %get3A_90 = arith.index_cast %scan3A_81 : i32 to index
      %get3A_91 = arith.constant 32 : index
      %get3A_92 = tpu.vector_load %arg19[%get3A_90, %get3A_91] {strides = array<i32>} : memref<64x128xf32, #tpu.memory_space<vmem>>, vector<16xf32>,
      %get3A_93 = arith.index_cast %scan3A_81 : i32 to index
      %get3A_94 = arith.constant 48 : index
      %get3A_95 = tpu.vector_load %arg19[%get3A_93, %get3A_94] {strides = array<i32>} : memref<64x128xf32, #tpu.memory_space<vmem>>, vector<16xf32>,
      %pack3A_96 = tpu.pack_subelements %get3A_92, %get3A_95 {pack_format = #tpu.pack_format<interleaved>, positions = array<i32: 0, 1>} : vector<16xf32>, vector<16xf32> -> vector<32xbf16>
      %bitcast3A_97 = vector.bitcast %pack3A_96 : vector<32xbf16> to vector<16xi32>
      %swap3A_98 = arith.index_cast %scan3A_81 : i32 to index
      %swap3A_99 = arith.constant 16 : index
      %swap3A_100 = tpu.vector_load %arg21[%swap3A_98, %swap3A_99] {strides = array<i32>} : memref<128x64xi32, #tpu.memory_space<vmem>>, vector<16xi32>,
      tpu.vector_store %arg21[%swap3A_98, %swap3A_99], %bitcast3A_97 {strides = array<i32>} : memref<128x64xi32, #tpu.memory_space<vmem>>, vector<16xi32>,
      %get3A_101 = arith.index_cast %scan3A_81 : i32 to index
      %get3A_102 = arith.constant 64 : index
      %get3A_103 = tpu.vector_load %arg19[%get3A_101, %get3A_102] {strides = array<i32>} : memref<64x128xf32, #tpu.memory_space<vmem>>, vector<16xf32>,
      %get3A_104 = arith.index_cast %scan3A_81 : i32 to index
      %get3A_105 = arith.constant 80 : index
      %get3A_106 = tpu.vector_load %arg19[%get3A_104, %get3A_105] {strides = array<i32>} : memref<64x128xf32, #tpu.memory_space<vmem>>, vector<16xf32>,
      %pack3A_107 = tpu.pack_subelements %get3A_103, %get3A_106 {pack_format = #tpu.pack_format<interleaved>, positions = array<i32: 0, 1>} : vector<16xf32>, vector<16xf32> -> vector<32xbf16>
      %bitcast3A_108 = vector.bitcast %pack3A_107 : vector<32xbf16> to vector<16xi32>
      %swap3A_109 = arith.index_cast %scan3A_81 : i32 to index
      %swap3A_110 = arith.constant 32 : index
      %swap3A_111 = tpu.vector_load %arg21[%swap3A_109, %swap3A_110] {strides = array<i32>} : memref<128x64xi32, #tpu.memory_space<vmem>>, vector<16xi32>,
      tpu.vector_store %arg21[%swap3A_109, %swap3A_110], %bitcast3A_108 {strides = array<i32>} : memref<128x64xi32, #tpu.memory_space<vmem>>, vector<16xi32>,
      %get3A_112 = arith.index_cast %scan3A_81 : i32 to index
      %get3A_113 = arith.constant 96 : index
      %get3A_114 = tpu.vector_load %arg19[%get3A_112, %get3A_113] {strides = array<i32>} : memref<64x128xf32, #tpu.memory_space<vmem>>, vector<16xf32>,
      %get3A_115 = arith.index_cast %scan3A_81 : i32 to index
      %get3A_116 = arith.constant 112 : index
      %get3A_117 = tpu.vector_load %arg19[%get3A_115, %get3A_116] {strides = array<i32>} : memref<64x128xf32, #tpu.memory_space<vmem>>, vector<16xf32>,
      %pack3A_118 = tpu.pack_subelements %get3A_114, %get3A_117 {pack_format = #tpu.pack_format<interleaved>, positions = array<i32: 0, 1>} : vector<16xf32>, vector<16xf32> -> vector<32xbf16>
      %bitcast3A_119 = vector.bitcast %pack3A_118 : vector<32xbf16> to vector<16xi32>
      %swap3A_120 = arith.index_cast %scan3A_81 : i32 to index
      %swap3A_121 = arith.constant 48 : index
      %swap3A_122 = tpu.vector_load %arg21[%swap3A_120, %swap3A_121] {strides = array<i32>} : memref<128x64xi32, #tpu.memory_space<vmem>>, vector<16xi32>,
      tpu.vector_store %arg21[%swap3A_120, %swap3A_121], %bitcast3A_119 {strides = array<i32>} : memref<128x64xi32, #tpu.memory_space<vmem>>, vector<16xi32>,
      %scan3A_123 = arith.constant 0 : i32
      scf.yield %scan3A_123 : i32
    }
    %scan3A_18 = arith.constant 64 : i32
    "tpu.region"() ({
      %run_scoped3A = tpu.sem_alloc : memref<!tpu.dma_semaphore, #tpu.memory_space<semaphore_mem>>
      %dma_start3A_81 = arith.constant 0 : i32
      %dma_start3A_82 = arith.constant 0 : i32
      %dma_start3A_83 = tpu.memref_slice %arg21[%dma_start3A_81, %dma_start3A_82] : memref<128x64xi32, #tpu.memory_space<vmem>> -> memref<64x64xi32, #tpu.memory_space<vmem>>
      %dma_start3A_84 = arith.constant 0 : i32
      %dma_start3A_85 = tpu.memref_slice %arg12[%mul3A_8, %dma_start3A_84] : memref<10240x64xi32, #tpu.memory_space<hbm>> -> memref<64x64xi32, #tpu.memory_space<hbm>>
      %dma_start3A_86 = arith.constant 0 : i32
      %dma_start3A_87 = tpu.memref_slice %arg12[%mul3A_8, %dma_start3A_86] : memref<10240x64xi32, #tpu.memory_space<hbm>> -> memref<64x64xi32, #tpu.memory_space<hbm>>
      %dma_start3A_88 = arith.constant 0 : i32
      %dma_start3A_89 = arith.constant 0 : i32
      %dma_start3A_90 = tpu.memref_slice %arg21[%dma_start3A_88, %dma_start3A_89] : memref<128x64xi32, #tpu.memory_space<vmem>> -> memref<64x64xi32, #tpu.memory_space<vmem>>
      tpu.enqueue_dma source(%dma_start3A_90 : memref<64x64xi32, #tpu.memory_space<vmem>>) target(%dma_start3A_87 : memref<64x64xi32, #tpu.memory_space<hbm>>) target_semaphore(%run_scoped3A : memref<!tpu.dma_semaphore, #tpu.memory_space<semaphore_mem>>)
      %dma_wait3A_91 = arith.constant 0 : i32
      %dma_wait3A_92 = arith.constant 0 : i32
      %dma_wait3A_93 = tpu.memref_slice %arg21[%dma_wait3A_91, %dma_wait3A_92] : memref<128x64xi32, #tpu.memory_space<vmem>> -> memref<64x64xi32, #tpu.memory_space<vmem>>
      %dma_wait3A_94 = arith.constant 0 : i32
      %dma_wait3A_95 = tpu.memref_slice %arg12[%mul3A_8, %dma_wait3A_94] : memref<10240x64xi32, #tpu.memory_space<hbm>> -> memref<64x64xi32, #tpu.memory_space<hbm>>
      %dma_wait3A_96 = arith.constant 0 : i32
      %dma_wait3A_97 = tpu.memref_slice %arg12[%mul3A_8, %dma_wait3A_96] : memref<10240x64xi32, #tpu.memory_space<hbm>> -> memref<64x64xi32, #tpu.memory_space<hbm>>
      %dma_wait3A_98 = arith.constant 0 : i32
      %dma_wait3A_99 = arith.constant 0 : i32
      %dma_wait3A_100 = tpu.memref_slice %arg21[%dma_wait3A_98, %dma_wait3A_99] : memref<128x64xi32, #tpu.memory_space<vmem>> -> memref<64x64xi32, #tpu.memory_space<vmem>>
      tpu.wait_dma2 semaphore(%run_scoped3A : memref<!tpu.dma_semaphore, #tpu.memory_space<semaphore_mem>>) src(%dma_wait3A_100 : memref<64x64xi32, #tpu.memory_space<vmem>>) dst(%dma_wait3A_97 : memref<64x64xi32, #tpu.memory_space<hbm>>)
      tpu.yield
    }) : () -> ()
    %mul3A_19 = arith.constant 256 : i32
    %mul3A_20 = arith.muli %add3A, %mul3A_19 : i32
    %add3A_21 = arith.constant 0 : i32
    %add3A_22 = arith.addi %mul3A_20, %add3A_21 : i32
    "tpu.region"() ({
      %run_scoped3A = tpu.sem_alloc : memref<!tpu.dma_semaphore, #tpu.memory_space<semaphore_mem>>
      %dma_start3A_81 = arith.constant 0 : i32
      %dma_start3A_82 = tpu.memref_slice %arg5[%add3A_22, %dma_start3A_81] : memref<8192x128xf32, #tpu.memory_space<hbm>> -> memref<128x128xf32, #tpu.memory_space<hbm>>
      %dma_start3A_83 = arith.constant 0 : i32
      %dma_start3A_84 = tpu.memref_slice %arg5[%add3A_22, %dma_start3A_83] : memref<8192x128xf32, #tpu.memory_space<hbm>> -> memref<128x128xf32, #tpu.memory_space<hbm>>
      tpu.enqueue_dma source(%dma_start3A_84 : memref<128x128xf32, #tpu.memory_space<hbm>>) target(%arg20 : memref<128x128xf32, #tpu.memory_space<vmem>>) target_semaphore(%run_scoped3A : memref<!tpu.dma_semaphore, #tpu.memory_space<semaphore_mem>>)
      %dma_wait3A_85 = arith.constant 0 : i32
      %dma_wait3A_86 = tpu.memref_slice %arg5[%add3A_22, %dma_wait3A_85] : memref<8192x128xf32, #tpu.memory_space<hbm>> -> memref<128x128xf32, #tpu.memory_space<hbm>>
      %dma_wait3A_87 = arith.constant 0 : i32
      %dma_wait3A_88 = tpu.memref_slice %arg5[%add3A_22, %dma_wait3A_87] : memref<8192x128xf32, #tpu.memory_space<hbm>> -> memref<128x128xf32, #tpu.memory_space<hbm>>
      tpu.wait_dma2 semaphore(%run_scoped3A : memref<!tpu.dma_semaphore, #tpu.memory_space<semaphore_mem>>) src(%dma_wait3A_88 : memref<128x128xf32, #tpu.memory_space<hbm>>) dst(%arg20 : memref<128x128xf32, #tpu.memory_space<vmem>>)
      tpu.yield
    }) : () -> ()
    "tpu.region"() ({
      %run_scoped3A = tpu.sem_alloc : memref<!tpu.dma_semaphore, #tpu.memory_space<semaphore_mem>>
      %dma_start3A_81 = tpu.memref_slice %arg6[%add3A_22] : memref<8192xi32, #tpu.memory_space<hbm>> -> memref<128xi32, #tpu.memory_space<hbm>>
      %dma_start3A_82 = tpu.memref_slice %arg6[%add3A_22] : memref<8192xi32, #tpu.memory_space<hbm>> -> memref<128xi32, #tpu.memory_space<hbm>>
      tpu.enqueue_dma source(%dma_start3A_82 : memref<128xi32, #tpu.memory_space<hbm>>) target(%arg18 : memref<128xi32, #tpu.memory_space<vmem>>) target_semaphore(%run_scoped3A : memref<!tpu.dma_semaphore, #tpu.memory_space<semaphore_mem>>)
      %dma_wait3A_83 = tpu.memref_slice %arg6[%add3A_22] : memref<8192xi32, #tpu.memory_space<hbm>> -> memref<128xi32, #tpu.memory_space<hbm>>
      %dma_wait3A_84 = tpu.memref_slice %arg6[%add3A_22] : memref<8192xi32, #tpu.memory_space<hbm>> -> memref<128xi32, #tpu.memory_space<hbm>>
      tpu.wait_dma2 semaphore(%run_scoped3A : memref<!tpu.dma_semaphore, #tpu.memory_space<semaphore_mem>>) src(%dma_wait3A_84 : memref<128xi32, #tpu.memory_space<hbm>>) dst(%arg18 : memref<128xi32, #tpu.memory_space<vmem>>)
      tpu.yield
    }) : () -> ()
    %dma_start3A_23 = arith.constant 0 : i32
    %dma_start3A_24 = arith.constant 0 : i32
    %dma_start3A_25 = tpu.memref_slice %arg13[%dma_start3A_23, %dma_start3A_24] : memref<1024x128xf32, #tpu.memory_space<vmem_shared>> -> memref<1024x128xf32, #tpu.memory_space<vmem_shared>>
    tpu.enqueue_indirect_dma source(%dma_start3A_25 : memref<1024x128xf32, #tpu.memory_space<vmem_shared>>) target(%arg20 : memref<128x128xf32, #tpu.memory_space<vmem>>) offsets(%arg18 : memref<128xi32, #tpu.memory_space<vmem>>) semaphore(%arg22 : memref<!tpu.dma_semaphore, #tpu.memory_space<semaphore_mem>>) {add = true}
    %dma_wait3A_26 = arith.constant 0 : i32
    %dma_wait3A_27 = arith.constant 0 : i32
    %dma_wait3A_28 = tpu.memref_slice %arg13[%dma_wait3A_26, %dma_wait3A_27] : memref<1024x128xf32, #tpu.memory_space<vmem_shared>> -> memref<1024x128xf32, #tpu.memory_space<vmem_shared>>
    tpu.wait_indirect_dma semaphore(%arg22 : memref<!tpu.dma_semaphore, #tpu.memory_space<semaphore_mem>>) src(%dma_wait3A_28 : memref<1024x128xf32, #tpu.memory_space<vmem_shared>>) dst(%arg20 : memref<128x128xf32, #tpu.memory_space<vmem>>)
    "tpu.region"() ({
      %run_scoped3A = tpu.sem_alloc : memref<!tpu.dma_semaphore, #tpu.memory_space<semaphore_mem>>
      %dma_start3A_81 = tpu.memref_slice %arg8[%add3A_22] : memref<8192xi32, #tpu.memory_space<hbm>> -> memref<128xi32, #tpu.memory_space<hbm>>
      %dma_start3A_82 = tpu.memref_slice %arg8[%add3A_22] : memref<8192xi32, #tpu.memory_space<hbm>> -> memref<128xi32, #tpu.memory_space<hbm>>
      tpu.enqueue_dma source(%dma_start3A_82 : memref<128xi32, #tpu.memory_space<hbm>>) target(%arg18 : memref<128xi32, #tpu.memory_space<vmem>>) target_semaphore(%run_scoped3A : memref<!tpu.dma_semaphore, #tpu.memory_space<semaphore_mem>>)
      %dma_wait3A_83 = tpu.memref_slice %arg8[%add3A_22] : memref<8192xi32, #tpu.memory_space<hbm>> -> memref<128xi32, #tpu.memory_space<hbm>>
      %dma_wait3A_84 = tpu.memref_slice %arg8[%add3A_22] : memref<8192xi32, #tpu.memory_space<hbm>> -> memref<128xi32, #tpu.memory_space<hbm>>
      tpu.wait_dma2 semaphore(%run_scoped3A : memref<!tpu.dma_semaphore, #tpu.memory_space<semaphore_mem>>) src(%dma_wait3A_84 : memref<128xi32, #tpu.memory_space<hbm>>) dst(%arg18 : memref<128xi32, #tpu.memory_space<vmem>>)
      tpu.yield
    }) : () -> ()
    %dma_start3A_29 = arith.constant 0 : i32
    %dma_start3A_30 = arith.constant 0 : i32
    %dma_start3A_31 = tpu.memref_slice %arg14[%dma_start3A_29, %dma_start3A_30] : memref<2048x128xf32, #tpu.memory_space<vmem_shared>> -> memref<2048x128xf32, #tpu.memory_space<vmem_shared>>
    tpu.enqueue_indirect_dma source(%dma_start3A_31 : memref<2048x128xf32, #tpu.memory_space<vmem_shared>>) target(%arg20 : memref<128x128xf32, #tpu.memory_space<vmem>>) offsets(%arg18 : memref<128xi32, #tpu.memory_space<vmem>>) semaphore(%arg22 : memref<!tpu.dma_semaphore, #tpu.memory_space<semaphore_mem>>) {add = true}
    %dma_wait3A_32 = arith.constant 0 : i32
    %dma_wait3A_33 = arith.constant 0 : i32
    %dma_wait3A_34 = tpu.memref_slice %arg14[%dma_wait3A_32, %dma_wait3A_33] : memref<2048x128xf32, #tpu.memory_space<vmem_shared>> -> memref<2048x128xf32, #tpu.memory_space<vmem_shared>>
    tpu.wait_indirect_dma semaphore(%arg22 : memref<!tpu.dma_semaphore, #tpu.memory_space<semaphore_mem>>) src(%dma_wait3A_34 : memref<2048x128xf32, #tpu.memory_space<vmem_shared>>) dst(%arg20 : memref<128x128xf32, #tpu.memory_space<vmem>>)
    "tpu.region"() ({
      %run_scoped3A = tpu.sem_alloc : memref<!tpu.dma_semaphore, #tpu.memory_space<semaphore_mem>>
      %dma_start3A_81 = tpu.memref_slice %arg10[%add3A_22] : memref<8192xi32, #tpu.memory_space<hbm>> -> memref<128xi32, #tpu.memory_space<hbm>>
      %dma_start3A_82 = tpu.memref_slice %arg10[%add3A_22] : memref<8192xi32, #tpu.memory_space<hbm>> -> memref<128xi32, #tpu.memory_space<hbm>>
      tpu.enqueue_dma source(%dma_start3A_82 : memref<128xi32, #tpu.memory_space<hbm>>) target(%arg18 : memref<128xi32, #tpu.memory_space<vmem>>) target_semaphore(%run_scoped3A : memref<!tpu.dma_semaphore, #tpu.memory_space<semaphore_mem>>)
      %dma_wait3A_83 = tpu.memref_slice %arg10[%add3A_22] : memref<8192xi32, #tpu.memory_space<hbm>> -> memref<128xi32, #tpu.memory_space<hbm>>
      %dma_wait3A_84 = tpu.memref_slice %arg10[%add3A_22] : memref<8192xi32, #tpu.memory_space<hbm>> -> memref<128xi32, #tpu.memory_space<hbm>>
      tpu.wait_dma2 semaphore(%run_scoped3A : memref<!tpu.dma_semaphore, #tpu.memory_space<semaphore_mem>>) src(%dma_wait3A_84 : memref<128xi32, #tpu.memory_space<hbm>>) dst(%arg18 : memref<128xi32, #tpu.memory_space<vmem>>)
      tpu.yield
    }) : () -> ()
    %dma_start3A_35 = arith.constant 0 : i32
    %dma_start3A_36 = arith.constant 0 : i32
    %dma_start3A_37 = tpu.memref_slice %arg15[%dma_start3A_35, %dma_start3A_36] : memref<16x128xf32, #tpu.memory_space<vmem_shared>> -> memref<16x128xf32, #tpu.memory_space<vmem_shared>>
    tpu.enqueue_indirect_dma source(%dma_start3A_37 : memref<16x128xf32, #tpu.memory_space<vmem_shared>>) target(%arg20 : memref<128x128xf32, #tpu.memory_space<vmem>>) offsets(%arg18 : memref<128xi32, #tpu.memory_space<vmem>>) semaphore(%arg22 : memref<!tpu.dma_semaphore, #tpu.memory_space<semaphore_mem>>) {add = true}
    %dma_wait3A_38 = arith.constant 0 : i32
    %dma_wait3A_39 = arith.constant 0 : i32
    %dma_wait3A_40 = tpu.memref_slice %arg15[%dma_wait3A_38, %dma_wait3A_39] : memref<16x128xf32, #tpu.memory_space<vmem_shared>> -> memref<16x128xf32, #tpu.memory_space<vmem_shared>>
    tpu.wait_indirect_dma semaphore(%arg22 : memref<!tpu.dma_semaphore, #tpu.memory_space<semaphore_mem>>) src(%dma_wait3A_40 : memref<16x128xf32, #tpu.memory_space<vmem_shared>>) dst(%arg20 : memref<128x128xf32, #tpu.memory_space<vmem>>)
    %scan3A_41 = arith.constant 0 : i32
    %scan3A_42 = arith.constant 0 : i32
    %scan3A_43 = arith.constant 128 : i32
    %scan3A_44 = arith.addi %scan3A_42, %scan3A_43 : i32
    %scan3A_45 = arith.constant 1 : i32
    %scan3A_46 = scf.for %scan3A_81 = %scan3A_42 to %scan3A_44 step %scan3A_45 iter_args(%scan3A_82 = %scan3A_41) -> (i32)  : i32 {
      %get3A = arith.index_cast %scan3A_81 : i32 to index
      %get3A_83 = arith.constant 0 : index
      %get3A_84 = tpu.vector_load %arg20[%get3A, %get3A_83] {strides = array<i32>} : memref<128x128xf32, #tpu.memory_space<vmem>>, vector<16xf32>,
      %get3A_85 = arith.index_cast %scan3A_81 : i32 to index
      %get3A_86 = arith.constant 16 : index
      %get3A_87 = tpu.vector_load %arg20[%get3A_85, %get3A_86] {strides = array<i32>} : memref<128x128xf32, #tpu.memory_space<vmem>>, vector<16xf32>,
      %pack3A = tpu.pack_subelements %get3A_84, %get3A_87 {pack_format = #tpu.pack_format<interleaved>, positions = array<i32: 0, 1>} : vector<16xf32>, vector<16xf32> -> vector<32xbf16>
      %bitcast3A = vector.bitcast %pack3A : vector<32xbf16> to vector<16xi32>
      %swap3A = arith.index_cast %scan3A_81 : i32 to index
      %swap3A_88 = arith.constant 0 : index
      %swap3A_89 = tpu.vector_load %arg21[%swap3A, %swap3A_88] {strides = array<i32>} : memref<128x64xi32, #tpu.memory_space<vmem>>, vector<16xi32>,
      tpu.vector_store %arg21[%swap3A, %swap3A_88], %bitcast3A {strides = array<i32>} : memref<128x64xi32, #tpu.memory_space<vmem>>, vector<16xi32>,
      %get3A_90 = arith.index_cast %scan3A_81 : i32 to index
      %get3A_91 = arith.constant 32 : index
      %get3A_92 = tpu.vector_load %arg20[%get3A_90, %get3A_91] {strides = array<i32>} : memref<128x128xf32, #tpu.memory_space<vmem>>, vector<16xf32>,
      %get3A_93 = arith.index_cast %scan3A_81 : i32 to index
      %get3A_94 = arith.constant 48 : index
      %get3A_95 = tpu.vector_load %arg20[%get3A_93, %get3A_94] {strides = array<i32>} : memref<128x128xf32, #tpu.memory_space<vmem>>, vector<16xf32>,
      %pack3A_96 = tpu.pack_subelements %get3A_92, %get3A_95 {pack_format = #tpu.pack_format<interleaved>, positions = array<i32: 0, 1>} : vector<16xf32>, vector<16xf32> -> vector<32xbf16>
      %bitcast3A_97 = vector.bitcast %pack3A_96 : vector<32xbf16> to vector<16xi32>
      %swap3A_98 = arith.index_cast %scan3A_81 : i32 to index
      %swap3A_99 = arith.constant 16 : index
      %swap3A_100 = tpu.vector_load %arg21[%swap3A_98, %swap3A_99] {strides = array<i32>} : memref<128x64xi32, #tpu.memory_space<vmem>>, vector<16xi32>,
      tpu.vector_store %arg21[%swap3A_98, %swap3A_99], %bitcast3A_97 {strides = array<i32>} : memref<128x64xi32, #tpu.memory_space<vmem>>, vector<16xi32>,
      %get3A_101 = arith.index_cast %scan3A_81 : i32 to index
      %get3A_102 = arith.constant 64 : index
      %get3A_103 = tpu.vector_load %arg20[%get3A_101, %get3A_102] {strides = array<i32>} : memref<128x128xf32, #tpu.memory_space<vmem>>, vector<16xf32>,
      %get3A_104 = arith.index_cast %scan3A_81 : i32 to index
      %get3A_105 = arith.constant 80 : index
      %get3A_106 = tpu.vector_load %arg20[%get3A_104, %get3A_105] {strides = array<i32>} : memref<128x128xf32, #tpu.memory_space<vmem>>, vector<16xf32>,
      %pack3A_107 = tpu.pack_subelements %get3A_103, %get3A_106 {pack_format = #tpu.pack_format<interleaved>, positions = array<i32: 0, 1>} : vector<16xf32>, vector<16xf32> -> vector<32xbf16>
      %bitcast3A_108 = vector.bitcast %pack3A_107 : vector<32xbf16> to vector<16xi32>
      %swap3A_109 = arith.index_cast %scan3A_81 : i32 to index
      %swap3A_110 = arith.constant 32 : index
      %swap3A_111 = tpu.vector_load %arg21[%swap3A_109, %swap3A_110] {strides = array<i32>} : memref<128x64xi32, #tpu.memory_space<vmem>>, vector<16xi32>,
      tpu.vector_store %arg21[%swap3A_109, %swap3A_110], %bitcast3A_108 {strides = array<i32>} : memref<128x64xi32, #tpu.memory_space<vmem>>, vector<16xi32>,
      %get3A_112 = arith.index_cast %scan3A_81 : i32 to index
      %get3A_113 = arith.constant 96 : index
      %get3A_114 = tpu.vector_load %arg20[%get3A_112, %get3A_113] {strides = array<i32>} : memref<128x128xf32, #tpu.memory_space<vmem>>, vector<16xf32>,
      %get3A_115 = arith.index_cast %scan3A_81 : i32 to index
      %get3A_116 = arith.constant 112 : index
      %get3A_117 = tpu.vector_load %arg20[%get3A_115, %get3A_116] {strides = array<i32>} : memref<128x128xf32, #tpu.memory_space<vmem>>, vector<16xf32>,
      %pack3A_118 = tpu.pack_subelements %get3A_114, %get3A_117 {pack_format = #tpu.pack_format<interleaved>, positions = array<i32: 0, 1>} : vector<16xf32>, vector<16xf32> -> vector<32xbf16>
      %bitcast3A_119 = vector.bitcast %pack3A_118 : vector<32xbf16> to vector<16xi32>
      %swap3A_120 = arith.index_cast %scan3A_81 : i32 to index
      %swap3A_121 = arith.constant 48 : index
      %swap3A_122 = tpu.vector_load %arg21[%swap3A_120, %swap3A_121] {strides = array<i32>} : memref<128x64xi32, #tpu.memory_space<vmem>>, vector<16xi32>,
      tpu.vector_store %arg21[%swap3A_120, %swap3A_121], %bitcast3A_119 {strides = array<i32>} : memref<128x64xi32, #tpu.memory_space<vmem>>, vector<16xi32>,
      %scan3A_123 = arith.constant 0 : i32
      scf.yield %scan3A_123 : i32
    }
    %scan3A_47 = arith.constant 128 : i32
    %add3A_48 = arith.constant 2048 : i32
    %add3A_49 = arith.addi %add3A_48, %add3A_22 : i32
    "tpu.region"() ({
      %run_scoped3A = tpu.sem_alloc : memref<!tpu.dma_semaphore, #tpu.memory_space<semaphore_mem>>
      %dma_start3A_81 = arith.constant 0 : i32
      %dma_start3A_82 = tpu.memref_slice %arg12[%add3A_49, %dma_start3A_81] : memref<10240x64xi32, #tpu.memory_space<hbm>> -> memref<128x64xi32, #tpu.memory_space<hbm>>
      %dma_start3A_83 = arith.constant 0 : i32
      %dma_start3A_84 = tpu.memref_slice %arg12[%add3A_49, %dma_start3A_83] : memref<10240x64xi32, #tpu.memory_space<hbm>> -> memref<128x64xi32, #tpu.memory_space<hbm>>
      tpu.enqueue_dma source(%arg21 : memref<128x64xi32, #tpu.memory_space<vmem>>) target(%dma_start3A_84 : memref<128x64xi32, #tpu.memory_space<hbm>>) target_semaphore(%run_scoped3A : memref<!tpu.dma_semaphore, #tpu.memory_space<semaphore_mem>>)
      %dma_wait3A_85 = arith.constant 0 : i32
      %dma_wait3A_86 = tpu.memref_slice %arg12[%add3A_49, %dma_wait3A_85] : memref<10240x64xi32, #tpu.memory_space<hbm>> -> memref<128x64xi32, #tpu.memory_space<hbm>>
      %dma_wait3A_87 = arith.constant 0 : i32
      %dma_wait3A_88 = tpu.memref_slice %arg12[%add3A_49, %dma_wait3A_87] : memref<10240x64xi32, #tpu.memory_space<hbm>> -> memref<128x64xi32, #tpu.memory_space<hbm>>
      tpu.wait_dma2 semaphore(%run_scoped3A : memref<!tpu.dma_semaphore, #tpu.memory_space<semaphore_mem>>) src(%arg21 : memref<128x64xi32, #tpu.memory_space<vmem>>) dst(%dma_wait3A_88 : memref<128x64xi32, #tpu.memory_space<hbm>>)
      tpu.yield
    }) : () -> ()
    %mul3A_50 = arith.constant 256 : i32
    %mul3A_51 = arith.muli %add3A, %mul3A_50 : i32
    %add3A_52 = arith.constant 128 : i32
    %add3A_53 = arith.addi %mul3A_51, %add3A_52 : i32
    "tpu.region"() ({
      %run_scoped3A = tpu.sem_alloc : memref<!tpu.dma_semaphore, #tpu.memory_space<semaphore_mem>>
      %dma_start3A_81 = arith.constant 0 : i32
      %dma_start3A_82 = tpu.memref_slice %arg5[%add3A_53, %dma_start3A_81] : memref<8192x128xf32, #tpu.memory_space<hbm>> -> memref<128x128xf32, #tpu.memory_space<hbm>>
      %dma_start3A_83 = arith.constant 0 : i32
      %dma_start3A_84 = tpu.memref_slice %arg5[%add3A_53, %dma_start3A_83] : memref<8192x128xf32, #tpu.memory_space<hbm>> -> memref<128x128xf32, #tpu.memory_space<hbm>>
      tpu.enqueue_dma source(%dma_start3A_84 : memref<128x128xf32, #tpu.memory_space<hbm>>) target(%arg20 : memref<128x128xf32, #tpu.memory_space<vmem>>) target_semaphore(%run_scoped3A : memref<!tpu.dma_semaphore, #tpu.memory_space<semaphore_mem>>)
      %dma_wait3A_85 = arith.constant 0 : i32
      %dma_wait3A_86 = tpu.memref_slice %arg5[%add3A_53, %dma_wait3A_85] : memref<8192x128xf32, #tpu.memory_space<hbm>> -> memref<128x128xf32, #tpu.memory_space<hbm>>
      %dma_wait3A_87 = arith.constant 0 : i32
      %dma_wait3A_88 = tpu.memref_slice %arg5[%add3A_53, %dma_wait3A_87] : memref<8192x128xf32, #tpu.memory_space<hbm>> -> memref<128x128xf32, #tpu.memory_space<hbm>>
      tpu.wait_dma2 semaphore(%run_scoped3A : memref<!tpu.dma_semaphore, #tpu.memory_space<semaphore_mem>>) src(%dma_wait3A_88 : memref<128x128xf32, #tpu.memory_space<hbm>>) dst(%arg20 : memref<128x128xf32, #tpu.memory_space<vmem>>)
      tpu.yield
    }) : () -> ()
    "tpu.region"() ({
      %run_scoped3A = tpu.sem_alloc : memref<!tpu.dma_semaphore, #tpu.memory_space<semaphore_mem>>
      %dma_start3A_81 = tpu.memref_slice %arg6[%add3A_53] : memref<8192xi32, #tpu.memory_space<hbm>> -> memref<128xi32, #tpu.memory_space<hbm>>
      %dma_start3A_82 = tpu.memref_slice %arg6[%add3A_53] : memref<8192xi32, #tpu.memory_space<hbm>> -> memref<128xi32, #tpu.memory_space<hbm>>
      tpu.enqueue_dma source(%dma_start3A_82 : memref<128xi32, #tpu.memory_space<hbm>>) target(%arg18 : memref<128xi32, #tpu.memory_space<vmem>>) target_semaphore(%run_scoped3A : memref<!tpu.dma_semaphore, #tpu.memory_space<semaphore_mem>>)
      %dma_wait3A_83 = tpu.memref_slice %arg6[%add3A_53] : memref<8192xi32, #tpu.memory_space<hbm>> -> memref<128xi32, #tpu.memory_space<hbm>>
      %dma_wait3A_84 = tpu.memref_slice %arg6[%add3A_53] : memref<8192xi32, #tpu.memory_space<hbm>> -> memref<128xi32, #tpu.memory_space<hbm>>
      tpu.wait_dma2 semaphore(%run_scoped3A : memref<!tpu.dma_semaphore, #tpu.memory_space<semaphore_mem>>) src(%dma_wait3A_84 : memref<128xi32, #tpu.memory_space<hbm>>) dst(%arg18 : memref<128xi32, #tpu.memory_space<vmem>>)
      tpu.yield
    }) : () -> ()
    %dma_start3A_54 = arith.constant 0 : i32
    %dma_start3A_55 = arith.constant 0 : i32
    %dma_start3A_56 = tpu.memref_slice %arg13[%dma_start3A_54, %dma_start3A_55] : memref<1024x128xf32, #tpu.memory_space<vmem_shared>> -> memref<1024x128xf32, #tpu.memory_space<vmem_shared>>
    tpu.enqueue_indirect_dma source(%dma_start3A_56 : memref<1024x128xf32, #tpu.memory_space<vmem_shared>>) target(%arg20 : memref<128x128xf32, #tpu.memory_space<vmem>>) offsets(%arg18 : memref<128xi32, #tpu.memory_space<vmem>>) semaphore(%arg22 : memref<!tpu.dma_semaphore, #tpu.memory_space<semaphore_mem>>) {add = true}
    %dma_wait3A_57 = arith.constant 0 : i32
    %dma_wait3A_58 = arith.constant 0 : i32
    %dma_wait3A_59 = tpu.memref_slice %arg13[%dma_wait3A_57, %dma_wait3A_58] : memref<1024x128xf32, #tpu.memory_space<vmem_shared>> -> memref<1024x128xf32, #tpu.memory_space<vmem_shared>>
    tpu.wait_indirect_dma semaphore(%arg22 : memref<!tpu.dma_semaphore, #tpu.memory_space<semaphore_mem>>) src(%dma_wait3A_59 : memref<1024x128xf32, #tpu.memory_space<vmem_shared>>) dst(%arg20 : memref<128x128xf32, #tpu.memory_space<vmem>>)
    "tpu.region"() ({
      %run_scoped3A = tpu.sem_alloc : memref<!tpu.dma_semaphore, #tpu.memory_space<semaphore_mem>>
      %dma_start3A_81 = tpu.memref_slice %arg8[%add3A_53] : memref<8192xi32, #tpu.memory_space<hbm>> -> memref<128xi32, #tpu.memory_space<hbm>>
      %dma_start3A_82 = tpu.memref_slice %arg8[%add3A_53] : memref<8192xi32, #tpu.memory_space<hbm>> -> memref<128xi32, #tpu.memory_space<hbm>>
      tpu.enqueue_dma source(%dma_start3A_82 : memref<128xi32, #tpu.memory_space<hbm>>) target(%arg18 : memref<128xi32, #tpu.memory_space<vmem>>) target_semaphore(%run_scoped3A : memref<!tpu.dma_semaphore, #tpu.memory_space<semaphore_mem>>)
      %dma_wait3A_83 = tpu.memref_slice %arg8[%add3A_53] : memref<8192xi32, #tpu.memory_space<hbm>> -> memref<128xi32, #tpu.memory_space<hbm>>
      %dma_wait3A_84 = tpu.memref_slice %arg8[%add3A_53] : memref<8192xi32, #tpu.memory_space<hbm>> -> memref<128xi32, #tpu.memory_space<hbm>>
      tpu.wait_dma2 semaphore(%run_scoped3A : memref<!tpu.dma_semaphore, #tpu.memory_space<semaphore_mem>>) src(%dma_wait3A_84 : memref<128xi32, #tpu.memory_space<hbm>>) dst(%arg18 : memref<128xi32, #tpu.memory_space<vmem>>)
      tpu.yield
    }) : () -> ()
    %dma_start3A_60 = arith.constant 0 : i32
    %dma_start3A_61 = arith.constant 0 : i32
    %dma_start3A_62 = tpu.memref_slice %arg14[%dma_start3A_60, %dma_start3A_61] : memref<2048x128xf32, #tpu.memory_space<vmem_shared>> -> memref<2048x128xf32, #tpu.memory_space<vmem_shared>>
    tpu.enqueue_indirect_dma source(%dma_start3A_62 : memref<2048x128xf32, #tpu.memory_space<vmem_shared>>) target(%arg20 : memref<128x128xf32, #tpu.memory_space<vmem>>) offsets(%arg18 : memref<128xi32, #tpu.memory_space<vmem>>) semaphore(%arg22 : memref<!tpu.dma_semaphore, #tpu.memory_space<semaphore_mem>>) {add = true}
    %dma_wait3A_63 = arith.constant 0 : i32
    %dma_wait3A_64 = arith.constant 0 : i32
    %dma_wait3A_65 = tpu.memref_slice %arg14[%dma_wait3A_63, %dma_wait3A_64] : memref<2048x128xf32, #tpu.memory_space<vmem_shared>> -> memref<2048x128xf32, #tpu.memory_space<vmem_shared>>
    tpu.wait_indirect_dma semaphore(%arg22 : memref<!tpu.dma_semaphore, #tpu.memory_space<semaphore_mem>>) src(%dma_wait3A_65 : memref<2048x128xf32, #tpu.memory_space<vmem_shared>>) dst(%arg20 : memref<128x128xf32, #tpu.memory_space<vmem>>)
    "tpu.region"() ({
      %run_scoped3A = tpu.sem_alloc : memref<!tpu.dma_semaphore, #tpu.memory_space<semaphore_mem>>
      %dma_start3A_81 = tpu.memref_slice %arg10[%add3A_53] : memref<8192xi32, #tpu.memory_space<hbm>> -> memref<128xi32, #tpu.memory_space<hbm>>
      %dma_start3A_82 = tpu.memref_slice %arg10[%add3A_53] : memref<8192xi32, #tpu.memory_space<hbm>> -> memref<128xi32, #tpu.memory_space<hbm>>
      tpu.enqueue_dma source(%dma_start3A_82 : memref<128xi32, #tpu.memory_space<hbm>>) target(%arg18 : memref<128xi32, #tpu.memory_space<vmem>>) target_semaphore(%run_scoped3A : memref<!tpu.dma_semaphore, #tpu.memory_space<semaphore_mem>>)
      %dma_wait3A_83 = tpu.memref_slice %arg10[%add3A_53] : memref<8192xi32, #tpu.memory_space<hbm>> -> memref<128xi32, #tpu.memory_space<hbm>>
      %dma_wait3A_84 = tpu.memref_slice %arg10[%add3A_53] : memref<8192xi32, #tpu.memory_space<hbm>> -> memref<128xi32, #tpu.memory_space<hbm>>
      tpu.wait_dma2 semaphore(%run_scoped3A : memref<!tpu.dma_semaphore, #tpu.memory_space<semaphore_mem>>) src(%dma_wait3A_84 : memref<128xi32, #tpu.memory_space<hbm>>) dst(%arg18 : memref<128xi32, #tpu.memory_space<vmem>>)
      tpu.yield
    }) : () -> ()
    %dma_start3A_66 = arith.constant 0 : i32
    %dma_start3A_67 = arith.constant 0 : i32
    %dma_start3A_68 = tpu.memref_slice %arg15[%dma_start3A_66, %dma_start3A_67] : memref<16x128xf32, #tpu.memory_space<vmem_shared>> -> memref<16x128xf32, #tpu.memory_space<vmem_shared>>
    tpu.enqueue_indirect_dma source(%dma_start3A_68 : memref<16x128xf32, #tpu.memory_space<vmem_shared>>) target(%arg20 : memref<128x128xf32, #tpu.memory_space<vmem>>) offsets(%arg18 : memref<128xi32, #tpu.memory_space<vmem>>) semaphore(%arg22 : memref<!tpu.dma_semaphore, #tpu.memory_space<semaphore_mem>>) {add = true}
    %dma_wait3A_69 = arith.constant 0 : i32
    %dma_wait3A_70 = arith.constant 0 : i32
    %dma_wait3A_71 = tpu.memref_slice %arg15[%dma_wait3A_69, %dma_wait3A_70] : memref<16x128xf32, #tpu.memory_space<vmem_shared>> -> memref<16x128xf32, #tpu.memory_space<vmem_shared>>
    tpu.wait_indirect_dma semaphore(%arg22 : memref<!tpu.dma_semaphore, #tpu.memory_space<semaphore_mem>>) src(%dma_wait3A_71 : memref<16x128xf32, #tpu.memory_space<vmem_shared>>) dst(%arg20 : memref<128x128xf32, #tpu.memory_space<vmem>>)
    %scan3A_72 = arith.constant 0 : i32
    %scan3A_73 = arith.constant 0 : i32
    %scan3A_74 = arith.constant 128 : i32
    %scan3A_75 = arith.addi %scan3A_73, %scan3A_74 : i32
    %scan3A_76 = arith.constant 1 : i32
    %scan3A_77 = scf.for %scan3A_81 = %scan3A_73 to %scan3A_75 step %scan3A_76 iter_args(%scan3A_82 = %scan3A_72) -> (i32)  : i32 {
      %get3A = arith.index_cast %scan3A_81 : i32 to index
      %get3A_83 = arith.constant 0 : index
      %get3A_84 = tpu.vector_load %arg20[%get3A, %get3A_83] {strides = array<i32>} : memref<128x128xf32, #tpu.memory_space<vmem>>, vector<16xf32>,
      %get3A_85 = arith.index_cast %scan3A_81 : i32 to index
      %get3A_86 = arith.constant 16 : index
      %get3A_87 = tpu.vector_load %arg20[%get3A_85, %get3A_86] {strides = array<i32>} : memref<128x128xf32, #tpu.memory_space<vmem>>, vector<16xf32>,
      %pack3A = tpu.pack_subelements %get3A_84, %get3A_87 {pack_format = #tpu.pack_format<interleaved>, positions = array<i32: 0, 1>} : vector<16xf32>, vector<16xf32> -> vector<32xbf16>
      %bitcast3A = vector.bitcast %pack3A : vector<32xbf16> to vector<16xi32>
      %swap3A = arith.index_cast %scan3A_81 : i32 to index
      %swap3A_88 = arith.constant 0 : index
      %swap3A_89 = tpu.vector_load %arg21[%swap3A, %swap3A_88] {strides = array<i32>} : memref<128x64xi32, #tpu.memory_space<vmem>>, vector<16xi32>,
      tpu.vector_store %arg21[%swap3A, %swap3A_88], %bitcast3A {strides = array<i32>} : memref<128x64xi32, #tpu.memory_space<vmem>>, vector<16xi32>,
      %get3A_90 = arith.index_cast %scan3A_81 : i32 to index
      %get3A_91 = arith.constant 32 : index
      %get3A_92 = tpu.vector_load %arg20[%get3A_90, %get3A_91] {strides = array<i32>} : memref<128x128xf32, #tpu.memory_space<vmem>>, vector<16xf32>,
      %get3A_93 = arith.index_cast %scan3A_81 : i32 to index
      %get3A_94 = arith.constant 48 : index
      %get3A_95 = tpu.vector_load %arg20[%get3A_93, %get3A_94] {strides = array<i32>} : memref<128x128xf32, #tpu.memory_space<vmem>>, vector<16xf32>,
      %pack3A_96 = tpu.pack_subelements %get3A_92, %get3A_95 {pack_format = #tpu.pack_format<interleaved>, positions = array<i32: 0, 1>} : vector<16xf32>, vector<16xf32> -> vector<32xbf16>
      %bitcast3A_97 = vector.bitcast %pack3A_96 : vector<32xbf16> to vector<16xi32>
      %swap3A_98 = arith.index_cast %scan3A_81 : i32 to index
      %swap3A_99 = arith.constant 16 : index
      %swap3A_100 = tpu.vector_load %arg21[%swap3A_98, %swap3A_99] {strides = array<i32>} : memref<128x64xi32, #tpu.memory_space<vmem>>, vector<16xi32>,
      tpu.vector_store %arg21[%swap3A_98, %swap3A_99], %bitcast3A_97 {strides = array<i32>} : memref<128x64xi32, #tpu.memory_space<vmem>>, vector<16xi32>,
      %get3A_101 = arith.index_cast %scan3A_81 : i32 to index
      %get3A_102 = arith.constant 64 : index
      %get3A_103 = tpu.vector_load %arg20[%get3A_101, %get3A_102] {strides = array<i32>} : memref<128x128xf32, #tpu.memory_space<vmem>>, vector<16xf32>,
      %get3A_104 = arith.index_cast %scan3A_81 : i32 to index
      %get3A_105 = arith.constant 80 : index
      %get3A_106 = tpu.vector_load %arg20[%get3A_104, %get3A_105] {strides = array<i32>} : memref<128x128xf32, #tpu.memory_space<vmem>>, vector<16xf32>,
      %pack3A_107 = tpu.pack_subelements %get3A_103, %get3A_106 {pack_format = #tpu.pack_format<interleaved>, positions = array<i32: 0, 1>} : vector<16xf32>, vector<16xf32> -> vector<32xbf16>
      %bitcast3A_108 = vector.bitcast %pack3A_107 : vector<32xbf16> to vector<16xi32>
      %swap3A_109 = arith.index_cast %scan3A_81 : i32 to index
      %swap3A_110 = arith.constant 32 : index
      %swap3A_111 = tpu.vector_load %arg21[%swap3A_109, %swap3A_110] {strides = array<i32>} : memref<128x64xi32, #tpu.memory_space<vmem>>, vector<16xi32>,
      tpu.vector_store %arg21[%swap3A_109, %swap3A_110], %bitcast3A_108 {strides = array<i32>} : memref<128x64xi32, #tpu.memory_space<vmem>>, vector<16xi32>,
      %get3A_112 = arith.index_cast %scan3A_81 : i32 to index
      %get3A_113 = arith.constant 96 : index
      %get3A_114 = tpu.vector_load %arg20[%get3A_112, %get3A_113] {strides = array<i32>} : memref<128x128xf32, #tpu.memory_space<vmem>>, vector<16xf32>,
      %get3A_115 = arith.index_cast %scan3A_81 : i32 to index
      %get3A_116 = arith.constant 112 : index
      %get3A_117 = tpu.vector_load %arg20[%get3A_115, %get3A_116] {strides = array<i32>} : memref<128x128xf32, #tpu.memory_space<vmem>>, vector<16xf32>,
      %pack3A_118 = tpu.pack_subelements %get3A_114, %get3A_117 {pack_format = #tpu.pack_format<interleaved>, positions = array<i32: 0, 1>} : vector<16xf32>, vector<16xf32> -> vector<32xbf16>
      %bitcast3A_119 = vector.bitcast %pack3A_118 : vector<32xbf16> to vector<16xi32>
      %swap3A_120 = arith.index_cast %scan3A_81 : i32 to index
      %swap3A_121 = arith.constant 48 : index
      %swap3A_122 = tpu.vector_load %arg21[%swap3A_120, %swap3A_121] {strides = array<i32>} : memref<128x64xi32, #tpu.memory_space<vmem>>, vector<16xi32>,
      tpu.vector_store %arg21[%swap3A_120, %swap3A_121], %bitcast3A_119 {strides = array<i32>} : memref<128x64xi32, #tpu.memory_space<vmem>>, vector<16xi32>,
      %scan3A_123 = arith.constant 0 : i32
      scf.yield %scan3A_123 : i32
    }
    %scan3A_78 = arith.constant 128 : i32
    %add3A_79 = arith.constant 2048 : i32
    %add3A_80 = arith.addi %add3A_79, %add3A_53 : i32
    "tpu.region"() ({
      %run_scoped3A = tpu.sem_alloc : memref<!tpu.dma_semaphore, #tpu.memory_space<semaphore_mem>>
      %dma_start3A_81 = arith.constant 0 : i32
      %dma_start3A_82 = tpu.memref_slice %arg12[%add3A_80, %dma_start3A_81] : memref<10240x64xi32, #tpu.memory_space<hbm>> -> memref<128x64xi32, #tpu.memory_space<hbm>>
      %dma_start3A_83 = arith.constant 0 : i32
      %dma_start3A_84 = tpu.memref_slice %arg12[%add3A_80, %dma_start3A_83] : memref<10240x64xi32, #tpu.memory_space<hbm>> -> memref<128x64xi32, #tpu.memory_space<hbm>>
      tpu.enqueue_dma source(%arg21 : memref<128x64xi32, #tpu.memory_space<vmem>>) target(%dma_start3A_84 : memref<128x64xi32, #tpu.memory_space<hbm>>) target_semaphore(%run_scoped3A : memref<!tpu.dma_semaphore, #tpu.memory_space<semaphore_mem>>)
      %dma_wait3A_85 = arith.constant 0 : i32
      %dma_wait3A_86 = tpu.memref_slice %arg12[%add3A_80, %dma_wait3A_85] : memref<10240x64xi32, #tpu.memory_space<hbm>> -> memref<128x64xi32, #tpu.memory_space<hbm>>
      %dma_wait3A_87 = arith.constant 0 : i32
      %dma_wait3A_88 = tpu.memref_slice %arg12[%add3A_80, %dma_wait3A_87] : memref<10240x64xi32, #tpu.memory_space<hbm>> -> memref<128x64xi32, #tpu.memory_space<hbm>>
      tpu.wait_dma2 semaphore(%run_scoped3A : memref<!tpu.dma_semaphore, #tpu.memory_space<semaphore_mem>>) src(%arg21 : memref<128x64xi32, #tpu.memory_space<vmem>>) dst(%dma_wait3A_88 : memref<128x64xi32, #tpu.memory_space<hbm>>)
      tpu.yield
    }) : () -> ()
    return
  }
}

</mosaic_0001>

<sc_bundles>
// kernel: kernel.4.cloned.1.call-start
scs
__scs_entry_jumppad:
0x0: {  	(pc) =	sbr.rel $0x88, $3  }
0x1: {  	(tag) =	ssettag $0x0;
	lr =	simm.s32 $0x1  }
0x2: {  	[smem:$0x3F96] =	sst lr;
	_ =	strace $0xD0000000  }
0x3: {  	_ = 	snop  }
0x4: {  	_ = 	snop  }
0x5: {  	_ = 	snop  }
0x6: {  	_ = 	snop  }
0x7: {  	_ = 	snop  }
__scs_overlays_trampoline_lowered:
0x8: {  	[smem:$0x3FA5] =	sst s0  }
0x9: {  	[smem:$0x3FA6] =	sst s1  }
0xa: {  	[smem:$0x3FA7] =	sst s2  }
0xb: {  	[smem:$0x3FA8] =	sst s3  }
0xc: {  	[smem:$0x3FA9] =	sst s4  }
0xd: {  	[smem:$0x3FAA] =	sst s5  }
0xe: {  	[smem:$0x3FAB] =	sst s6  }
0xf: {  	[smem:$0x3FAC] =	sst s7  }
0x10: {  	[smem:$0x3FAD] =	sst s8  }
0x11: {  	[smem:$0x3FAE] =	sst s9;
	s0 =	simm.s32 @!p0 $0x0  }
0x12: {  	s1 =	sld [smem:$0x3F94];
	s0 =	simm.s32 @p0 $0x1  }
0x13: {  	[smem:$0x3FAF] =	sst s0;
	s0 =	simm.s32 @!p1 $0x0  }
0x14: {  	s2 =	sld [smem:$0x3F93];
	s0 =	simm.s32 @p1 $0x1  }
0x15: {  	[smem:$0x3FB0] =	sst s0;
	s0 =	simm.s32 @!p2 $0x0  }
0x16: {  	s3 =	sld [smem:$0x3FDB];
	s0 =	simm.s32 @p2 $0x1  }
0x17: {  	s4 =	simm.s32 $0x1BF5;
	[smem:$0x3FB2] =	sst s0  }
0x18: {  	s0 =	sld [smem:$0x3F95];
	_ =	swait.ge [sflag:s4], $0x0  }
0x19: {  	s7 =	sld [smem:$0x3F96]  }
0x1a: {  	s8 =	sadd.s32 $0xFFFFE003, lr  }
0x1b: {  	s9 =	sadd.s32 $0xFFFFFEF7, lr;
	s5 =	simm.s32 $0xFFFFFFFF;
	p2 =	slt.u32 s8, $0xFFFFF086  }
0x1c: {  	p1 =	slt.u32 s9, $0xF7A;
	s5 =	simm.s32 @!p2 $0x0  }
0x1d: {  	s5 =	simm.s32 @p1 $0x1;
	p0 =	seq.s32 s7, s2  }
0x1e: {  	s7 =	smul.u32 @!p0 $0xF7A, s2;
	p2 =	seq.s32 @!p0 s5, $0x0  }
0x1f: {  	s9 =	smul.u32 $0xF7A, s1;
	s8 =	simm.s32 @!p0 $0x1BF5;
	p2 =	por !p2, p0  }
0x20: {  	[sflag:s8] =	ssyncset.s32 @!p0 $0xFFFFF086;
	s6 =	sadd.s32 @!p0 s3, s7;
	s7 =	simm.s32 @!p0 $0x108  }
0x21: {  	s3 =	sadd.s32 s3, s9;
	s6 =	sadd.s32 @!p0 $0x88, s6;
	s7 =	simm.s32 @p2 $0x1082  }
0x22: {  	[simem:s7], [sflag:s8] =	dma.local @!p0 [hbm:s6], $0xF7A  }
0x23: {  	s9 =	sor.u32 $0xD0000000, s2;
	s6 =	simm.s32 $0x108;
	_ =	swait.ge @!p0 [sflag:s8], $0x0  }
0x24: {  	s3 =	sadd.s32 $0x88, s3;
	s6 =	simm.s32 @!p1 $0x1082;
	[sflag:s4] =	ssyncset.s32 $0xFFFFF086  }
0x25: {  	[simem:s6], [sflag:s4] =	dma.local [hbm:s3], $0xF7A  }
0x26: {  	[smem:$0x3F96] =	sst s1;
	(tag) =	ssettag s2;
	_ =	strace s9  }
0x27: {  	s1 =	sld [smem:$0x3FA6]  }
0x28: {  	s2 =	sld [smem:$0x3FA7]  }
0x29: {  	s4 =	sld [smem:$0x3FA9]  }
0x2a: {  	p0 =	seq.s32 s5, $0x0;
	s5 =	sld [smem:$0x3FAA]  }
0x2b: {  	s6 =	sld [smem:$0x3FAB]  }
0x2c: {  	s7 =	sld [smem:$0x3FAC]  }
0x2d: {  	s3 =	simm.s32 $0x108;
	s8 =	sld [smem:$0x3FAD]  }
0x2e: {  	s3 =	simm.s32 @!p0 $0x1082;
	s9 =	sld [smem:$0x3FAE]  }
0x2f: {  	lr =	sadd.s32 s0, s3;
	s0 =	sld [smem:$0x3FA5]  }
0x30: {  	s3 =	sld [smem:$0x3FA8]  }
0x31: {  	[smem:$0x3FB1] =	sst s10  }
0x32: {  	s10 =	sld [smem:$0x3FAF];
	_ =	sdelay $0x3  }
0x33: {  	p0 =	seq.s32 s10, $0x1;
	s10 =	sld [smem:$0x3FB1];
	_ =	sdelay $0x3  }
0x34: {  	[smem:$0x3FB1] =	sst s10  }
0x35: {  	s10 =	sld [smem:$0x3FB0];
	_ =	sdelay $0x3  }
0x36: {  	p1 =	seq.s32 s10, $0x1;
	s10 =	sld [smem:$0x3FB1];
	_ =	sdelay $0x3  }
0x37: {  	[smem:$0x3FB1] =	sst s10  }
0x38: {  	s10 =	sld [smem:$0x3FB2]  }
0x39: {  	_ = 	snop;
	(pc) =	sbr.ind lr, $3  }
0x3a: {  	_ = 	snop  }
0x3b: {  	_ = 	snop  }
0x3c: {  	p2 =	seq.s32 s10, $0x1;
	s10 =	sld [smem:$0x3FB1]  }
0x3d: {  	_ =	shalt  }
0x3e: {  	_ =	shalt  }
0x3f: {  	_ =	shalt  }
0x40: {  	_ =	shalt  }
0x41: {  	_ =	shalt  }
0x42: {  	_ =	shalt  }
0x43: {  	_ =	shalt  }
0x44: {  	_ =	shalt  }
0x45: {  	_ =	shalt  }
0x46: {  	_ =	shalt  }
0x47: {  	_ =	shalt  }
0x48: {  	_ =	shalt  }
0x49: {  	_ =	shalt  }
0x4a: {  	_ =	shalt  }
0x4b: {  	_ =	shalt  }
0x4c: {  	_ =	shalt  }
0x4d: {  	_ =	shalt  }
0x4e: {  	_ =	shalt  }
0x4f: {  	_ =	shalt  }
0x50: {  	_ =	shalt  }
0x51: {  	_ =	shalt  }
0x52: {  	_ =	shalt  }
0x53: {  	_ =	shalt  }
0x54: {  	_ =	shalt  }
0x55: {  	_ =	shalt  }
0x56: {  	_ =	shalt  }
0x57: {  	_ =	shalt  }
0x58: {  	_ =	shalt  }
0x59: {  	_ =	shalt  }
0x5a: {  	_ =	shalt  }
0x5b: {  	_ =	shalt  }
0x5c: {  	_ =	shalt  }
0x5d: {  	_ =	shalt  }
0x5e: {  	_ =	shalt  }
0x5f: {  	_ =	shalt  }
0x60: {  	_ =	shalt  }
0x61: {  	_ =	shalt  }
0x62: {  	_ =	shalt  }
0x63: {  	_ =	shalt  }
0x64: {  	_ =	shalt  }
0x65: {  	_ =	shalt  }
0x66: {  	_ =	shalt  }
0x67: {  	_ =	shalt  }
0x68: {  	_ =	shalt  }
0x69: {  	_ =	shalt  }
0x6a: {  	_ =	shalt  }
0x6b: {  	_ =	shalt  }
0x6c: {  	_ =	shalt  }
0x6d: {  	_ =	shalt  }
0x6e: {  	_ =	shalt  }
0x6f: {  	_ =	shalt  }
0x70: {  	_ =	shalt  }
0x71: {  	_ =	shalt  }
0x72: {  	_ =	shalt  }
0x73: {  	_ =	shalt  }
0x74: {  	_ =	shalt  }
0x75: {  	_ =	shalt  }
0x76: {  	_ =	shalt  }
0x77: {  	_ =	shalt  }
0x78: {  	_ =	shalt  }
0x79: {  	_ =	shalt  }
0x7a: {  	_ =	shalt  }
0x7b: {  	_ =	shalt  }
0x7c: {  	_ =	shalt  }
0x7d: {  	_ =	shalt  }
0x7e: {  	_ =	shalt  }
0x7f: {  	_ =	shalt  }
0x80: {  	_ =	shalt  }
0x81: {  	_ =	shalt  }
0x82: {  	_ =	shalt  }
0x83: {  	_ =	shalt  }
0x84: {  	_ =	shalt  }
0x85: {  	_ =	shalt  }
0x86: {  	_ =	shalt  }
0x87: {  	_ =	shalt  }
.Lfunc_end0:
.L_simem_size_0:
called_computation_lowered:
.L_overlay_start_0:
0x88: {  	s2 =	sld [smem:$0x3FD9]  }
0x89: {  	s3 =	sld [smem:$0x3FFE];
	_ =	sdelay $0x1  }
0x8a: {  	s1 =	srdreg.scid  }
0x8b: {  	s0 =	sand.u32 $0x1, s1  }
0x8c: {  	s17 =	sshll.u32 s0, $0xA;
	s2 =	sadd.s32 s3, s2  }
0x8d: {  	s2 =	sadd.s32 s2, s17  }
0x8e: {  	[smem:$0x3FBD] =	sst s2  }
0x8f: {  	_ = 	snop  }
0x90: {  	s2 =	sld [smem:$0x3FD0];
	(tm) =	ssettm $0x1  }
0x91: {  	s18 =	sld [smem:$0x3FFB];
	_ =	sdelay $0x3  }
0x92: {  	_ =	strace s18  }
0x93: {  	s3 =	sld [smem:$0x3FFC];
	_ =	sdelay $0x3  }
0x94: {  	_ =	strace s3  }
0x95: {  	s3 =	sld [smem:$0x3FFD];
	_ =	sdelay $0x3  }
0x96: {  	_ =	strace s3  }
0x97: {  	_ =	strace $0x8FFFFFFF  }
0x98: {  	s19 =	sld [smem:$0x3FDB];
	_ =	sdelay $0x1  }
0x99: {  	s4 =	simm.s32 $_scs_section_size  }
0x9a: {  	s5 =	simm.s32 $_size__tile_overlayer_lowered;
	s6 =	simm.s32 $_tile_overlayer_lowered  }
0x9b: {  	s22 =	simm.s32 $0x1BFF;
	s21 =	sshll.u32 s6, $0x1;
	s3 =	sadd.s32 s4, s19  }
0x9c: {  	s7 =	simm.s32 $0x0;
	s20 =	sshll.u32 s5, $0x1;
	s5 =	sadd.s32 s21, s3  }
0x9d: {  	[timem:s7], [sflag:s22] =	dma.local [hbm:s5], s20  }
0x9e: {  	_ =	swait.ge [sflag:s22], s20  }
0x9f: {  	s4 =	ssub.s32 $0x0, s20;
	[sflag:s22] =	ssyncset.done $0x0  }
0xa0: {  	[sflag:s22] =	ssyncadd.s32 s4;
	_ =	sdelay $0x1  }
0xa1: {  	s23 =	simm.s32 $0x1B8B  }
0xa2: {  	_ =	swait.ge [sflag:s23], $0x1  }
0xa3: {  	[sflag:s23] =	ssyncset.done $0x0  }
0xa4: {  	s25 =	simm.s32 $0x1B8E;
	s24 =	sld [smem:$0x3FFE];
	[sflag:s23] =	ssyncadd.s32 $0xFFFFFFFF  }
0xa5: {  	s26 =	simm.s32 $execute0_lowered;
	[smem:$0x3FD2] =	sst s25  }
0xa6: {  	s5 =	sshll.u32 s26, $0x1;
	_ =	strace $0x80000046;
	[dreg:$0x1] =	wrdreg $0xFFFFFFFF  }
0xa7: {  	s28 =	simm.s32 $_size_execute0_lowered;
	s3 =	sadd.s32 s3, s5;
	[dreg:$0x0] =	wrdreg $0x0  }
0xa8: {  	s5 =	sshll.u32 s28, $0x1;
	[dreg:$0x2] =	wrdreg s3  }
0xa9: {  	[dreg:$0x3] =	wrdreg s5  }
0xaa: {  	[dreg:$0x4] =	wrdreg $0xC0  }
0xab: {  	_ =	task [dreg:s7], $0x5FFFF  }
0xac: {  	[dreg:$0x1] =	wrdreg $0xFFFFFFFF  }
0xad: {  	[dreg:$0x0] =	wrdreg $0x60  }
0xae: {  	[dreg:$0x2] =	wrdreg s2  }
0xaf: {  	[dreg:$0x3] =	wrdreg s24  }
0xb0: {  	[dreg:$0x4] =	wrdreg $0x0  }
0xb1: {  	[dreg:$0x5] =	wrdreg $0x20000  }
0xb2: {  	[dreg:$0x6] =	wrdreg $0x60000  }
0xb3: {  	[dreg:$0x7] =	wrdreg $0x60800  }
0xb4: {  	[dreg:$0x8] =	wrdreg $0x9  }
0xb5: {  	_ =	task.clear_ibuf [dreg:s7], $0x9FFFF;
	_ =	strace $0x90000046  }
0xb6: {  	s29 =	simm.s32 $0x9;
	_ =	strace $0x80000048  }
0xb7: {  	_ =	swait.ge [sflag:s29], $0x1  }
0xb8: {  	[sflag:s29] =	ssyncadd.s32 $0xFFFFFFFF  }
0xb9: {  	_ =	strace $0x90000048  }
0xba: {  	_ =	sfence  }
0xbb: {  	s30 =	sld [smem:$0x0];
	_ =	sdelay $0x2  }
0xbc: {  	s31 =	sshll.u32 s1, $0xD;
	s1 =	sshrl.u32 s1, $0x2  }
0xbd: {  	s3 =	sand.u32 $0x4000, s31;
	s1 =	sadd.s32 s1, s30  }
0xbe: {  	s0 =	sor.u32 s3, s0;
	s1 =	sshll.u32 s1, $0x11  }
0xbf: {  	s0 =	sor.u32 s1, s0  }
0xc0: {  	s0 =	sadd.s32 $0x8F2B, s0  }
0xc1: {  	[sflag:s0] =	ssyncadd.remote.s32 $0x1  }
0xc2: {  	_ =	sfence.sel $0xFFFF  }
0xc3: {  	[dreg:$0x0] =	wrdreg $0xFFFFFFFF;
	(pc) =	sbr.abs _section_cstart, $3  }
0xc4: {  	[dreg:$0x1] =	wrdreg $0xFFFFFFFF  }
0xc5: {  	_ =	task.clear_ibuf [dreg:s7], $0x2FFFF;
	_ =	strace $0x9FFFFFFF  }
0xc6: {  	(tm) =	ssettm $0x7FFFFFFF  }
0xc7: {  	_ =	shalt  }
tec
execute0_lowered:
.L_overlay_start_1:
0x0: {  	(tag) =	ssettag $0x1  }
0x1: {  	s0 =	rddreg [dreg:$0x0]  }
0x2: {  	s1 =	rddreg [dreg:$0x1]  }
0x3: {  	s13 =	rddreg [dreg:$0x2]  }
0x4: {  	s21 =	rddreg [dreg:$0x3]  }
0x5: {  	s3 =	rddreg [dreg:$0x4]  }
0x6: {  	s2 =	srdreg.scid;
	s5 =	simm.s32 $0x0;
	s4 =	stileid.u32  }
0x7: {  	s28 =	simm.s32 $0x2;
	s29 =	simm.s32 $0x6180;
	s30 =	simm.s32 $0x60C0  }
0x8: {  	s31 =	simm.s32 $0xC180;
	s2 =	sand.u32 $0x1, s2;
	[smem:$0x7FF] =	sst s5  }
0x9: {  	s8 =	sadd.s32 $0x1400, s1;
	s24 =	sadd.s32 $0x1600, s1;
	s9 =	sadd.s32 $0x21800, s1  }
0xa: {  	s10 =	sshll.u32 s4, $0xA;
	s11 =	sshll.u32 s4, $0xB;
	s17 =	sadd.s32 $0x25C00, s1  }
0xb: {  	s18 =	sadd.s32 $0x2E000, s1;
	s25 =	sadd.s32 $0x2E400, s1;
	s12 =	sshll.u32 s4, $0xD  }
0xc: {  	p0 =	sne.s32 s4, $0x0;
	s6 =	sshll.u32 s2, $0x4;
	_ =	strace $0x80000047  }
0xd: {  	[dreg:$0x7] =	wrdreg s8;
	s10 =	sadd.s32 s10, s1;
	s20 =	sadd.s32 s11, s1  }
0xe: {  	[dreg:$0x8] =	wrdreg s25;
	s2 =	ssub.s32 $0x2, s2;
	s25 =	sadd.s32 s12, s13  }
0xf: {  	s11 =	smov.u32 s21;
	s6 =	sor.u32 s4, s6;
	s26 =	sshrl.u32 s2, $0x1  }
0x10: {  	s10 =	sadd.s32 $0x21C00, s10;
	s20 =	sadd.s32 $0x26000, s20;
	s25 =	sshrl.u32 s25, $0x3  }
0x11: {  	s7 =	sshll.u32 s6, $0x3;
	s2 =	ssub.s32 s2, s26;
	s13 =	sshll.u32 s6, $0xA  }
0x12: {  	[dreg:$0x9] =	wrdreg s10;
	s14 =	sshll.u32 s6, $0x9;
	s15 =	sshll.u32 s6, $0x8  }
0x13: {  	s16 =	sshll.u32 s6, $0xC;
	s22 =	sshll.u32 s6, $0xB;
	s6 =	sshll.u32 s6, $0x5  }
0x14: {  	s26 =	sshll.u32 s4, $0xE;
	s7 =	sadd.s32 s7, s1;
	s0 =	sadd.s32 s0, s13  }
0x15: {  	s1 =	sadd.s32 $0x2E600, s1;
	s19 =	sadd.s32 s24, s16;
	[dreg:$0xa] =	wrdreg s0  }
0x16: {  	s12 =	sadd.s32 s9, s6;
	s0 =	sadd.s32 s1, s14;
	[dreg:$0xc] =	wrdreg s19  }
0x17: {  	s1 =	sadd.s32 s1, s22;
	s14 =	sadd.s32 s17, s6;
	[dreg:$0xb] =	wrdreg s0  }
0x18: {  	s0 =	sor.u32 $0x80, s15;
	s15 =	sadd.s32 s18, s6;
	s22 =	sadd.s32 $0x4000, s1  }
0x19: {  	s6 =	simm.s32 $0x0;
	s23 =	sshll.u32 s0, $0x4;
	s0 =	sshrl.u32 s0, $0x3  }
0x1a: {  	s13 =	sadd.s32 s24, s23;
	s16 =	sadd.s32 s9, s0;
	s17 =	sadd.s32 s17, s0  }
0x1b: {  	s18 =	sadd.s32 s18, s0;
	s24 =	sshll.u32 s4, $0x6;
	s0 =	sadd.s32 s26, s21  }
0x1c: {  	s21 =	sadd.s32 $0x21600, s7;
	s23 =	sadd.s32 $0x4400, s1;
	s4 =	simm.s32 $0x8180  }
0x1d: {  	s1 =	simm.s32 $0x6100;
	s19 =	sor.u32 $0x1C02, s24;
	s24 =	smax.u32 s2, $0x1  }
0x1e: {  	s26 =	sshrl.u32 s0, $0x3;
	s0 =	simm.s32 $0x1;
	s2 =	simm.s32 $0x80  }
.LBB2_1:
0x1f: {  	s7 =	rddreg [dreg:$0x9]  }
0x20: {  	[spmem:s25], [sflag:s19] =	dma.local [hbm:s7], $0x400  }
0x21: {  	_ =	swait.ge [sflag:s28], $0x400  }
0x22: {  	[sflag:s28] =	ssyncset.done $0x0  }
0x23: {  	[sflag:s28] =	ssyncadd.s32 $0xFFFFFC00  }
0x24: {  	[spmem:s26], [sflag:s19] =	dma.local [hbm:s20], $0x800  }
0x25: {  	_ =	swait.ge [sflag:s28], $0x800  }
0x26: {  	[sflag:s28] =	ssyncset.done $0x0  }
0x27: {  	s7 =	sshrl.u32 @!p0 s3, $0x3;
	s8 =	rddreg [dreg:$0x8];
	[sflag:s28] =	ssyncadd.s32 $0xFFFFF800  }
0x28: {  	[spmem:s7], [sflag:s19] =	dma.local @!p0 [hbm:s8], $0x100  }
0x29: {  	s7 =	simm.s32 @!p0 $0x2  }
0x2a: {  	_ =	swait.ge @!p0 [sflag:s7], $0x100  }
0x2b: {  	[sflag:s7] =	ssyncset.done @!p0 $0x0  }
0x2c: {  	[sflag:s7] =	ssyncadd.s32 @!p0 $0xFFFFFF00  }
0x2d: {  	s9 =	rddreg [dreg:$0x5]  }
0x2e: {  	s10 =	rddreg [dreg:$0x7];
	s8 =	sshrl.u32 @!p0 s9, $0x3  }
0x2f: {  	[spmem:s8], [sflag:s19] =	dma.local @!p0 [hbm:s10], $0x80  }
0x30: {  	_ =	swait.ge @!p0 [sflag:s7], $0x80  }
0x31: {  	[sflag:s7] =	ssyncset.done @!p0 $0x0  }
0x32: {  	[sflag:s7] =	ssyncadd.s32 @!p0 $0xFFFFFF80  }
0x33: {  	[bflag:$0x0] =	sbarrier.arrive $0xFFFF  }
0x34: {  	s8 =	rddreg [dreg:$0xa]  }
0x35: {  	[tilespmem:s29], [sflag:$0x2] =	stream.linear.gather [hbm4b:s8+s5], $0x2000, $0x38;
	[tilespmem:$0xE180] =	vst v63  }
0x36: {  	_ =	swait.ge [sflag:s28], $0x2000  }
0x37: {  	[sflag:s28] =	ssyncset.done $0x0  }
0x38: {  	[sflag:s28] =	ssyncadd.s32 $0xFFFFE000  }
0x39: {  	[tilespmem:s30], [sflag:$0x2] =	stream.linear.gather [hbm4b:s21+s5], $0x40, $0x38;
	[tilespmem:$0xE180] =	vst v63  }
0x3a: {  	_ =	swait.ge [sflag:s28], $0x40  }
0x3b: {  	[sflag:s28] =	ssyncset.done $0x0  }
0x3c: {  	s10 =	simm.s32 $0x40;
	[sflag:s28] =	ssyncadd.s32 $0xFFFFFFC0  }
0x3d: {  	[tilespmem:s29], [sflag:$0x1] =	stream.indirect.gather.add.f32 [spmem:s9], $0x80, s30, s10, $0xb8;
	[tilespmem:$0xE180] =	vst v63  }
0x3e: {  	_ =	swait.ge [sflag:s0], $0x2000  }
0x3f: {  	[sflag:s0] =	ssyncset.done $0x0  }
0x40: {  	s7 =	simm.s32 $0x61C0;
	[sflag:s0] =	ssyncadd.s32 $0xFFFFE000  }
0x41: {  	v0 =	vld [tilespmem:s7+$0xFFFFFFC0]  }
0x42: {  	v1 =	vld [tilespmem:s7+$0xFFFFFFD0];
	_ =	sdelay $0x4  }
0x43: {  	s8 =	simm.s32 $0x0;
	v0 =	vpack.i.f32.bf16 v1, v0  }
0x44: {  	[tilespmem:s8+$0xC180] =	vst v0  }
0x45: {  	v0 =	vld [tilespmem:s7+$0xFFFFFFE0]  }
0x46: {  	v1 =	vld [tilespmem:s7+$0xFFFFFFF0];
	_ =	sdelay $0x4  }
0x47: {  	v0 =	vpack.i.f32.bf16 v1, v0  }
0x48: {  	[tilespmem:s8+$0xC190] =	vst v0  }
0x49: {  	v0 =	vld [tilespmem:s7+$0x0]  }
0x4a: {  	v1 =	vld [tilespmem:s7+$0x10];
	_ =	sdelay $0x4  }
0x4b: {  	v0 =	vpack.i.f32.bf16 v1, v0  }
0x4c: {  	[tilespmem:s8+$0xC1A0] =	vst v0  }
0x4d: {  	v0 =	vld [tilespmem:s7+$0x20]  }
0x4e: {  	s9 =	simm.s32 $0x100;
	v1 =	vld [tilespmem:s7+$0x30]  }
.LBB2_2:
0x4f: {  	_ = 	snop  }
0x50: {  	p1 =	sne.s32 s9, $0x3F00  }
0x51: {  	s7 =	sadd.s32 $0x80, s7;
	s10 =	smov.u32 s9;
	s9 =	sadd.s32 $0x100, s9  }
0x52: {  	_ = 	snop  }
0x53: {  	v0 =	vpack.i.f32.bf16 v1, v0  }
0x54: {  	[tilespmem:s8+$0xC1B0] =	vst v0  }
0x55: {  	v0 =	vld [tilespmem:s7+$0xFFFFFFC0]  }
0x56: {  	v1 =	vld [tilespmem:s7+$0xFFFFFFD0];
	_ =	sdelay $0x4  }
0x57: {  	s8 =	sshra.s32 s10, $0x2;
	v0 =	vpack.i.f32.bf16 v1, v0  }
0x58: {  	[tilespmem:s8+$0xC180] =	vst v0  }
0x59: {  	v0 =	vld [tilespmem:s7+$0xFFFFFFE0]  }
0x5a: {  	v1 =	vld [tilespmem:s7+$0xFFFFFFF0];
	_ =	sdelay $0x4  }
0x5b: {  	v0 =	vpack.i.f32.bf16 v1, v0  }
0x5c: {  	[tilespmem:s8+$0xC190] =	vst v0  }
0x5d: {  	v0 =	vld [tilespmem:s7+$0x0]  }
0x5e: {  	v1 =	vld [tilespmem:s7+$0x10];
	_ =	sdelay $0x3  }
.Ltmp0:
0x5f: {  	(pc) =	sbr.rel @p1 .LBB2_2-.Ltmp0, $4  }
0x60: {  	v0 =	vpack.i.f32.bf16 v1, v0  }
0x61: {  	[tilespmem:s8+$0xC1A0] =	vst v0  }
0x62: {  	v0 =	vld [tilespmem:s7+$0x20]  }
0x63: {  	v1 =	vld [tilespmem:s7+$0x30]  }
0x64: {  	_ =	sdelay $0x3  }
0x65: {  	v0 =	vpack.i.f32.bf16 v1, v0  }
0x66: {  	s7 =	simm.s32 $0x0;
	s10 =	rddreg [dreg:$0xb];
	[tilespmem:s8+$0xC1B0] =	vst v0  }
0x67: {  	[hbm4b:s10+s7] =	stream.linear.scatter [tilespmem:s31], [sflag:$0x2], $0x1000, $0x38;
	[tilespmem:$0xE180] =	vst v63  }
0x68: {  	_ =	swait.ge [sflag:s28], $0x1000  }
0x69: {  	[sflag:s28] =	ssyncset.done $0x0  }
0x6a: {  	s9 =	rddreg [dreg:$0xc];
	[sflag:s28] =	ssyncadd.s32 $0xFFFFF000  }
0x6b: {  	[tilespmem:s4], [sflag:$0x2] =	stream.linear.gather [hbm4b:s9+s7], $0x4000, $0x38;
	[tilespmem:$0xE180] =	vst v63  }
0x6c: {  	_ =	swait.ge [sflag:s28], $0x4000  }
0x6d: {  	[sflag:s28] =	ssyncset.done $0x0  }
0x6e: {  	[sflag:s28] =	ssyncadd.s32 $0xFFFFC000  }
0x6f: {  	[tilespmem:s1], [sflag:$0x2] =	stream.linear.gather [hbm4b:s12+s7], $0x80, $0x38;
	[tilespmem:$0xE180] =	vst v63  }
0x70: {  	_ =	swait.ge [sflag:s28], $0x80  }
0x71: {  	[sflag:s28] =	ssyncset.done $0x0  }
0x72: {  	[sflag:s28] =	ssyncadd.s32 $0xFFFFFF80  }
0x73: {  	s10 =	rddreg [dreg:$0x2]  }
0x74: {  	[tilespmem:s4], [sflag:$0x1] =	stream.indirect.gather.add.f32 [spmem:s10], $0x80, s1, s2, $0xb8;
	[tilespmem:$0xE180] =	vst v63  }
0x75: {  	_ =	swait.ge [sflag:s0], $0x4000  }
0x76: {  	[sflag:s0] =	ssyncset.done $0x0  }
0x77: {  	[sflag:s0] =	ssyncadd.s32 $0xFFFFC000  }
0x78: {  	[tilespmem:s1], [sflag:$0x2] =	stream.linear.gather [hbm4b:s14+s7], $0x80, $0x38;
	[tilespmem:$0xE180] =	vst v63  }
0x79: {  	_ =	swait.ge [sflag:s28], $0x80  }
0x7a: {  	[sflag:s28] =	ssyncset.done $0x0  }
0x7b: {  	[sflag:s28] =	ssyncadd.s32 $0xFFFFFF80  }
0x7c: {  	[tilespmem:s4], [sflag:$0x1] =	stream.indirect.gather.add.f32 [spmem:s11], $0x80, s1, s2, $0xb8;
	[tilespmem:$0xE180] =	vst v63  }
0x7d: {  	_ =	swait.ge [sflag:s0], $0x4000  }
0x7e: {  	[sflag:s0] =	ssyncset.done $0x0  }
0x7f: {  	[sflag:s0] =	ssyncadd.s32 $0xFFFFC000  }
0x80: {  	[tilespmem:s1], [sflag:$0x2] =	stream.linear.gather [hbm4b:s15+s7], $0x80, $0x38;
	[tilespmem:$0xE180] =	vst v63  }
0x81: {  	_ =	swait.ge [sflag:s28], $0x80  }
0x82: {  	[sflag:s28] =	ssyncset.done $0x0  }
0x83: {  	[sflag:s28] =	ssyncadd.s32 $0xFFFFFF80  }
0x84: {  	[tilespmem:s4], [sflag:$0x1] =	stream.indirect.gather.add.f32 [spmem:s3], $0x80, s1, s2, $0xb8;
	[tilespmem:$0xE180] =	vst v63  }
0x85: {  	_ =	swait.ge [sflag:s0], $0x4000  }
0x86: {  	[sflag:s0] =	ssyncset.done $0x0  }
0x87: {  	s7 =	simm.s32 $0x81C0;
	[sflag:s0] =	ssyncadd.s32 $0xFFFFC000  }
0x88: {  	v0 =	vld [tilespmem:s7+$0xFFFFFFC0]  }
0x89: {  	v1 =	vld [tilespmem:s7+$0xFFFFFFD0];
	_ =	sdelay $0x4  }
0x8a: {  	s8 =	simm.s32 $0x0;
	v0 =	vpack.i.f32.bf16 v1, v0  }
0x8b: {  	[tilespmem:s8+$0xC180] =	vst v0  }
0x8c: {  	v0 =	vld [tilespmem:s7+$0xFFFFFFE0]  }
0x8d: {  	v1 =	vld [tilespmem:s7+$0xFFFFFFF0];
	_ =	sdelay $0x4  }
0x8e: {  	v0 =	vpack.i.f32.bf16 v1, v0  }
0x8f: {  	[tilespmem:s8+$0xC190] =	vst v0  }
0x90: {  	v0 =	vld [tilespmem:s7+$0x0]  }
0x91: {  	v1 =	vld [tilespmem:s7+$0x10];
	_ =	sdelay $0x4  }
0x92: {  	v0 =	vpack.i.f32.bf16 v1, v0  }
0x93: {  	[tilespmem:s8+$0xC1A0] =	vst v0  }
0x94: {  	v0 =	vld [tilespmem:s7+$0x20]  }
0x95: {  	s9 =	simm.s32 $0x100;
	v1 =	vld [tilespmem:s7+$0x30]  }
.LBB2_4:
0x96: {  	_ = 	snop  }
0x97: {  	p1 =	sne.s32 s9, $0x7F00  }
0x98: {  	s7 =	sadd.s32 $0x80, s7;
	s10 =	smov.u32 s9;
	s9 =	sadd.s32 $0x100, s9  }
0x99: {  	_ = 	snop  }
0x9a: {  	v0 =	vpack.i.f32.bf16 v1, v0  }
0x9b: {  	[tilespmem:s8+$0xC1B0] =	vst v0  }
0x9c: {  	v0 =	vld [tilespmem:s7+$0xFFFFFFC0]  }
0x9d: {  	v1 =	vld [tilespmem:s7+$0xFFFFFFD0];
	_ =	sdelay $0x4  }
0x9e: {  	s8 =	sshra.s32 s10, $0x2;
	v0 =	vpack.i.f32.bf16 v1, v0  }
0x9f: {  	[tilespmem:s8+$0xC180] =	vst v0  }
0xa0: {  	v0 =	vld [tilespmem:s7+$0xFFFFFFE0]  }
0xa1: {  	v1 =	vld [tilespmem:s7+$0xFFFFFFF0];
	_ =	sdelay $0x4  }
0xa2: {  	v0 =	vpack.i.f32.bf16 v1, v0  }
0xa3: {  	[tilespmem:s8+$0xC190] =	vst v0  }
0xa4: {  	v0 =	vld [tilespmem:s7+$0x0]  }
0xa5: {  	v1 =	vld [tilespmem:s7+$0x10];
	_ =	sdelay $0x3  }
.Ltmp1:
0xa6: {  	(pc) =	sbr.rel @p1 .LBB2_4-.Ltmp1, $4  }
0xa7: {  	v0 =	vpack.i.f32.bf16 v1, v0  }
0xa8: {  	[tilespmem:s8+$0xC1A0] =	vst v0  }
0xa9: {  	v0 =	vld [tilespmem:s7+$0x20]  }
0xaa: {  	v1 =	vld [tilespmem:s7+$0x30]  }
0xab: {  	_ =	sdelay $0x3  }
0xac: {  	v0 =	vpack.i.f32.bf16 v1, v0  }
0xad: {  	s7 =	simm.s32 $0x0;
	[tilespmem:s8+$0xC1B0] =	vst v0  }
0xae: {  	[hbm4b:s22+s7] =	stream.linear.scatter [tilespmem:s31], [sflag:$0x2], $0x2000, $0x38;
	[tilespmem:$0xE180] =	vst v63  }
0xaf: {  	_ =	swait.ge [sflag:s28], $0x2000  }
0xb0: {  	[sflag:s28] =	ssyncset.done $0x0  }
0xb1: {  	[sflag:s28] =	ssyncadd.s32 $0xFFFFE000  }
0xb2: {  	[tilespmem:s4], [sflag:$0x2] =	stream.linear.gather [hbm4b:s13+s7], $0x4000, $0x38;
	[tilespmem:$0xE180] =	vst v63  }
0xb3: {  	_ =	swait.ge [sflag:s28], $0x4000  }
0xb4: {  	[sflag:s28] =	ssyncset.done $0x0  }
0xb5: {  	[sflag:s28] =	ssyncadd.s32 $0xFFFFC000  }
0xb6: {  	[tilespmem:s1], [sflag:$0x2] =	stream.linear.gather [hbm4b:s16+s7], $0x80, $0x38;
	[tilespmem:$0xE180] =	vst v63  }
0xb7: {  	_ =	swait.ge [sflag:s28], $0x80  }
0xb8: {  	[sflag:s28] =	ssyncset.done $0x0  }
0xb9: {  	[sflag:s28] =	ssyncadd.s32 $0xFFFFFF80  }
0xba: {  	s10 =	rddreg [dreg:$0x2]  }
0xbb: {  	[tilespmem:s4], [sflag:$0x1] =	stream.indirect.gather.add.f32 [spmem:s10], $0x80, s1, s2, $0xb8;
	[tilespmem:$0xE180] =	vst v63  }
0xbc: {  	_ =	swait.ge [sflag:s0], $0x4000  }
0xbd: {  	[sflag:s0] =	ssyncset.done $0x0  }
0xbe: {  	[sflag:s0] =	ssyncadd.s32 $0xFFFFC000  }
0xbf: {  	[tilespmem:s1], [sflag:$0x2] =	stream.linear.gather [hbm4b:s17+s7], $0x80, $0x38;
	[tilespmem:$0xE180] =	vst v63  }
0xc0: {  	_ =	swait.ge [sflag:s28], $0x80  }
0xc1: {  	[sflag:s28] =	ssyncset.done $0x0  }
0xc2: {  	[sflag:s28] =	ssyncadd.s32 $0xFFFFFF80  }
0xc3: {  	[tilespmem:s4], [sflag:$0x1] =	stream.indirect.gather.add.f32 [spmem:s11], $0x80, s1, s2, $0xb8;
	[tilespmem:$0xE180] =	vst v63  }
0xc4: {  	_ =	swait.ge [sflag:s0], $0x4000  }
0xc5: {  	[sflag:s0] =	ssyncset.done $0x0  }
0xc6: {  	[sflag:s0] =	ssyncadd.s32 $0xFFFFC000  }
0xc7: {  	[tilespmem:s1], [sflag:$0x2] =	stream.linear.gather [hbm4b:s18+s7], $0x80, $0x38;
	[tilespmem:$0xE180] =	vst v63  }
0xc8: {  	_ =	swait.ge [sflag:s28], $0x80  }
0xc9: {  	[sflag:s28] =	ssyncset.done $0x0  }
0xca: {  	[sflag:s28] =	ssyncadd.s32 $0xFFFFFF80  }
0xcb: {  	[tilespmem:s4], [sflag:$0x1] =	stream.indirect.gather.add.f32 [spmem:s3], $0x80, s1, s2, $0xb8;
	[tilespmem:$0xE180] =	vst v63  }
0xcc: {  	_ =	swait.ge [sflag:s0], $0x4000  }
0xcd: {  	[sflag:s0] =	ssyncset.done $0x0  }
0xce: {  	s7 =	simm.s32 $0x81C0;
	[sflag:s0] =	ssyncadd.s32 $0xFFFFC000  }
0xcf: {  	v0 =	vld [tilespmem:s7+$0xFFFFFFC0]  }
0xd0: {  	v1 =	vld [tilespmem:s7+$0xFFFFFFD0];
	_ =	sdelay $0x4  }
0xd1: {  	s8 =	simm.s32 $0x0;
	v0 =	vpack.i.f32.bf16 v1, v0  }
0xd2: {  	[tilespmem:s8+$0xC180] =	vst v0  }
0xd3: {  	v0 =	vld [tilespmem:s7+$0xFFFFFFE0]  }
0xd4: {  	v1 =	vld [tilespmem:s7+$0xFFFFFFF0];
	_ =	sdelay $0x4  }
0xd5: {  	v0 =	vpack.i.f32.bf16 v1, v0  }
0xd6: {  	[tilespmem:s8+$0xC190] =	vst v0  }
0xd7: {  	v0 =	vld [tilespmem:s7+$0x0]  }
0xd8: {  	v1 =	vld [tilespmem:s7+$0x10];
	_ =	sdelay $0x4  }
0xd9: {  	v0 =	vpack.i.f32.bf16 v1, v0  }
0xda: {  	[tilespmem:s8+$0xC1A0] =	vst v0  }
0xdb: {  	v0 =	vld [tilespmem:s7+$0x20]  }
0xdc: {  	s9 =	simm.s32 $0x100;
	v1 =	vld [tilespmem:s7+$0x30]  }
.LBB2_6:
0xdd: {  	_ = 	snop  }
0xde: {  	p1 =	sne.s32 s9, $0x7F00  }
0xdf: {  	s7 =	sadd.s32 $0x80, s7;
	s10 =	smov.u32 s9;
	s9 =	sadd.s32 $0x100, s9  }
0xe0: {  	_ = 	snop  }
0xe1: {  	v0 =	vpack.i.f32.bf16 v1, v0  }
0xe2: {  	[tilespmem:s8+$0xC1B0] =	vst v0  }
0xe3: {  	v0 =	vld [tilespmem:s7+$0xFFFFFFC0]  }
0xe4: {  	v1 =	vld [tilespmem:s7+$0xFFFFFFD0];
	_ =	sdelay $0x4  }
0xe5: {  	s8 =	sshra.s32 s10, $0x2;
	v0 =	vpack.i.f32.bf16 v1, v0  }
0xe6: {  	[tilespmem:s8+$0xC180] =	vst v0  }
0xe7: {  	v0 =	vld [tilespmem:s7+$0xFFFFFFE0]  }
0xe8: {  	v1 =	vld [tilespmem:s7+$0xFFFFFFF0];
	_ =	sdelay $0x4  }
0xe9: {  	v0 =	vpack.i.f32.bf16 v1, v0  }
0xea: {  	[tilespmem:s8+$0xC190] =	vst v0  }
0xeb: {  	v0 =	vld [tilespmem:s7+$0x0]  }
0xec: {  	v1 =	vld [tilespmem:s7+$0x10];
	_ =	sdelay $0x3  }
.Ltmp2:
0xed: {  	(pc) =	sbr.rel @p1 .LBB2_6-.Ltmp2, $4  }
0xee: {  	v0 =	vpack.i.f32.bf16 v1, v0  }
0xef: {  	[tilespmem:s8+$0xC1A0] =	vst v0  }
0xf0: {  	v0 =	vld [tilespmem:s7+$0x20]  }
0xf1: {  	v1 =	vld [tilespmem:s7+$0x30]  }
0xf2: {  	_ =	sdelay $0x2  }
0xf3: {  	s6 =	sadd.s32 $0x1, s6  }
0xf4: {  	p1 =	sne.s32 s6, s24;
	v0 =	vpack.i.f32.bf16 v1, v0  }
.Ltmp3:
0xf5: {  	[tilespmem:s8+$0xC1B0] =	vst v0;
	(pc) =	sbr.rel @p1 .LBB2_1-.Ltmp3, $4  }
0xf6: {  	[hbm4b:s23+s5] =	stream.linear.scatter [tilespmem:s31], [sflag:$0x2], $0x2000, $0x38;
	[tilespmem:$0xE180] =	vst v63  }
0xf7: {  	_ =	swait.ge [sflag:s28], $0x2000  }
0xf8: {  	[sflag:s28] =	ssyncset.done $0x0  }
0xf9: {  	[sflag:s28] =	ssyncadd.s32 $0xFFFFE000  }
0xfa: {  	_ =	sfence.sel $0x180000  }
0xfb: {  	[bflag:$0x0] =	sbarrier.arrive $0xFFFF  }
0xfc: {  	_ =	strace $0x90000047  }
0xfd: {  	[bflag:$0x2] =	sbarrier.arrive $0xFFFF  }
0xfe: {  	s0 =	rddreg [dreg:$0x6]  }
0xff: {  	s0 =	sadd.s32 @!p0 $0x100000, s0  }
0x100: {  	[sflag:s0] =	ssyncadd.tile.s32 @!p0 $0x1;
	_ =	shalt  }
.Lfunc_end2:
_tile_overlayer_lowered:
.L_overlay_start_2:
0x101: {  	(tag) =	ssettag $0x2  }
0x102: {  	s0 =	rddreg [dreg:$0x0];
	s2 =	stileid.u32  }
0x103: {  	s1 =	rddreg [dreg:$0x1];
	p0 =	sne.s32 s2, $0x0  }
0x104: {  	s3 =	rddreg [dreg:$0x2];
	[bflag:$0x3] =	sbarrier.arrive $0xFFFF;
	s2 =	simm.s32 @!p0 $0x1C02  }
0x105: {  	[timem:s3], [sflag:s2] =	dma.local @!p0 [hbm:s0], s1  }
0x106: {  	s0 =	simm.s32 @!p0 $0x2  }
0x107: {  	_ =	swait.ge @!p0 [sflag:s0], s1  }
0x108: {  	s1 =	ssub.s32 @!p0 $0x0, s1;
	[sflag:s0] =	ssyncset.done @!p0 $0x0  }
0x109: {  	[sflag:s0] =	ssyncadd.s32 @!p0 s1  }
0x10a: {  	[bflag:$0x3] =	sbarrier.arrive $0xFFFF  }
0x10b: {  	_ =	shalt  }

// kernel: kernel.7.cloned.1.call-start
scs
__scs_entry_jumppad:
0x0: {  	(pc) =	sbr.rel $0x88, $3  }
0x1: {  	(tag) =	ssettag $0x0;
	lr =	simm.s32 $0x1  }
0x2: {  	[smem:$0x3F96] =	sst lr;
	_ =	strace $0xD0000000  }
0x3: {  	_ = 	snop  }
0x4: {  	_ = 	snop  }
0x5: {  	_ = 	snop  }
0x6: {  	_ = 	snop  }
0x7: {  	_ = 	snop  }
__scs_overlays_trampoline_lowered:
0x8: {  	[smem:$0x3FA5] =	sst s0  }
0x9: {  	[smem:$0x3FA6] =	sst s1  }
0xa: {  	[smem:$0x3FA7] =	sst s2  }
0xb: {  	[smem:$0x3FA8] =	sst s3  }
0xc: {  	[smem:$0x3FA9] =	sst s4  }
0xd: {  	[smem:$0x3FAA] =	sst s5  }
0xe: {  	[smem:$0x3FAB] =	sst s6  }
0xf: {  	[smem:$0x3FAC] =	sst s7  }
0x10: {  	[smem:$0x3FAD] =	sst s8  }
0x11: {  	[smem:$0x3FAE] =	sst s9;
	s0 =	simm.s32 @!p0 $0x0  }
0x12: {  	s1 =	sld [smem:$0x3F94];
	s0 =	simm.s32 @p0 $0x1  }
0x13: {  	[smem:$0x3FAF] =	sst s0;
	s0 =	simm.s32 @!p1 $0x0  }
0x14: {  	s2 =	sld [smem:$0x3F93];
	s0 =	simm.s32 @p1 $0x1  }
0x15: {  	[smem:$0x3FB0] =	sst s0;
	s0 =	simm.s32 @!p2 $0x0  }
0x16: {  	s3 =	sld [smem:$0x3FDB];
	s0 =	simm.s32 @p2 $0x1  }
0x17: {  	s4 =	simm.s32 $0x1BF5;
	[smem:$0x3FB2] =	sst s0  }
0x18: {  	s0 =	sld [smem:$0x3F95];
	_ =	swait.ge [sflag:s4], $0x0  }
0x19: {  	s7 =	sld [smem:$0x3F96]  }
0x1a: {  	s8 =	sadd.s32 $0xFFFFE003, lr  }
0x1b: {  	s9 =	sadd.s32 $0xFFFFFEF7, lr;
	s5 =	simm.s32 $0xFFFFFFFF;
	p2 =	slt.u32 s8, $0xFFFFF086  }
0x1c: {  	p1 =	slt.u32 s9, $0xF7A;
	s5 =	simm.s32 @!p2 $0x0  }
0x1d: {  	s5 =	simm.s32 @p1 $0x1;
	p0 =	seq.s32 s7, s2  }
0x1e: {  	s7 =	smul.u32 @!p0 $0xF7A, s2;
	p2 =	seq.s32 @!p0 s5, $0x0  }
0x1f: {  	s9 =	smul.u32 $0xF7A, s1;
	s8 =	simm.s32 @!p0 $0x1BF5;
	p2 =	por !p2, p0  }
0x20: {  	[sflag:s8] =	ssyncset.s32 @!p0 $0xFFFFF086;
	s6 =	sadd.s32 @!p0 s3, s7;
	s7 =	simm.s32 @!p0 $0x108  }
0x21: {  	s3 =	sadd.s32 s3, s9;
	s6 =	sadd.s32 @!p0 $0x88, s6;
	s7 =	simm.s32 @p2 $0x1082  }
0x22: {  	[simem:s7], [sflag:s8] =	dma.local @!p0 [hbm:s6], $0xF7A  }
0x23: {  	s9 =	sor.u32 $0xD0000000, s2;
	s6 =	simm.s32 $0x108;
	_ =	swait.ge @!p0 [sflag:s8], $0x0  }
0x24: {  	s3 =	sadd.s32 $0x88, s3;
	s6 =	simm.s32 @!p1 $0x1082;
	[sflag:s4] =	ssyncset.s32 $0xFFFFF086  }
0x25: {  	[simem:s6], [sflag:s4] =	dma.local [hbm:s3], $0xF7A  }
0x26: {  	[smem:$0x3F96] =	sst s1;
	(tag) =	ssettag s2;
	_ =	strace s9  }
0x27: {  	s1 =	sld [smem:$0x3FA6]  }
0x28: {  	s2 =	sld [smem:$0x3FA7]  }
0x29: {  	s4 =	sld [smem:$0x3FA9]  }
0x2a: {  	p0 =	seq.s32 s5, $0x0;
	s5 =	sld [smem:$0x3FAA]  }
0x2b: {  	s6 =	sld [smem:$0x3FAB]  }
0x2c: {  	s7 =	sld [smem:$0x3FAC]  }
0x2d: {  	s3 =	simm.s32 $0x108;
	s8 =	sld [smem:$0x3FAD]  }
0x2e: {  	s3 =	simm.s32 @!p0 $0x1082;
	s9 =	sld [smem:$0x3FAE]  }
0x2f: {  	lr =	sadd.s32 s0, s3;
	s0 =	sld [smem:$0x3FA5]  }
0x30: {  	s3 =	sld [smem:$0x3FA8]  }
0x31: {  	[smem:$0x3FB1] =	sst s10  }
0x32: {  	s10 =	sld [smem:$0x3FAF];
	_ =	sdelay $0x3  }
0x33: {  	p0 =	seq.s32 s10, $0x1;
	s10 =	sld [smem:$0x3FB1];
	_ =	sdelay $0x3  }
0x34: {  	[smem:$0x3FB1] =	sst s10  }
0x35: {  	s10 =	sld [smem:$0x3FB0];
	_ =	sdelay $0x3  }
0x36: {  	p1 =	seq.s32 s10, $0x1;
	s10 =	sld [smem:$0x3FB1];
	_ =	sdelay $0x3  }
0x37: {  	[smem:$0x3FB1] =	sst s10  }
0x38: {  	s10 =	sld [smem:$0x3FB2]  }
0x39: {  	_ = 	snop;
	(pc) =	sbr.ind lr, $3  }
0x3a: {  	_ = 	snop  }
0x3b: {  	_ = 	snop  }
0x3c: {  	p2 =	seq.s32 s10, $0x1;
	s10 =	sld [smem:$0x3FB1]  }
0x3d: {  	_ =	shalt  }
0x3e: {  	_ =	shalt  }
0x3f: {  	_ =	shalt  }
0x40: {  	_ =	shalt  }
0x41: {  	_ =	shalt  }
0x42: {  	_ =	shalt  }
0x43: {  	_ =	shalt  }
0x44: {  	_ =	shalt  }
0x45: {  	_ =	shalt  }
0x46: {  	_ =	shalt  }
0x47: {  	_ =	shalt  }
0x48: {  	_ =	shalt  }
0x49: {  	_ =	shalt  }
0x4a: {  	_ =	shalt  }
0x4b: {  	_ =	shalt  }
0x4c: {  	_ =	shalt  }
0x4d: {  	_ =	shalt  }
0x4e: {  	_ =	shalt  }
0x4f: {  	_ =	shalt  }
0x50: {  	_ =	shalt  }
0x51: {  	_ =	shalt  }
0x52: {  	_ =	shalt  }
0x53: {  	_ =	shalt  }
0x54: {  	_ =	shalt  }
0x55: {  	_ =	shalt  }
0x56: {  	_ =	shalt  }
0x57: {  	_ =	shalt  }
0x58: {  	_ =	shalt  }
0x59: {  	_ =	shalt  }
0x5a: {  	_ =	shalt  }
0x5b: {  	_ =	shalt  }
0x5c: {  	_ =	shalt  }
0x5d: {  	_ =	shalt  }
0x5e: {  	_ =	shalt  }
0x5f: {  	_ =	shalt  }
0x60: {  	_ =	shalt  }
0x61: {  	_ =	shalt  }
0x62: {  	_ =	shalt  }
0x63: {  	_ =	shalt  }
0x64: {  	_ =	shalt  }
0x65: {  	_ =	shalt  }
0x66: {  	_ =	shalt  }
0x67: {  	_ =	shalt  }
0x68: {  	_ =	shalt  }
0x69: {  	_ =	shalt  }
0x6a: {  	_ =	shalt  }
0x6b: {  	_ =	shalt  }
0x6c: {  	_ =	shalt  }
0x6d: {  	_ =	shalt  }
0x6e: {  	_ =	shalt  }
0x6f: {  	_ =	shalt  }
0x70: {  	_ =	shalt  }
0x71: {  	_ =	shalt  }
0x72: {  	_ =	shalt  }
0x73: {  	_ =	shalt  }
0x74: {  	_ =	shalt  }
0x75: {  	_ =	shalt  }
0x76: {  	_ =	shalt  }
0x77: {  	_ =	shalt  }
0x78: {  	_ =	shalt  }
0x79: {  	_ =	shalt  }
0x7a: {  	_ =	shalt  }
0x7b: {  	_ =	shalt  }
0x7c: {  	_ =	shalt  }
0x7d: {  	_ =	shalt  }
0x7e: {  	_ =	shalt  }
0x7f: {  	_ =	shalt  }
0x80: {  	_ =	shalt  }
0x81: {  	_ =	shalt  }
0x82: {  	_ =	shalt  }
0x83: {  	_ =	shalt  }
0x84: {  	_ =	shalt  }
0x85: {  	_ =	shalt  }
0x86: {  	_ =	shalt  }
0x87: {  	_ =	shalt  }
.Lfunc_end0:
.L_simem_size_0:
called_computation.1_lowered:
.L_overlay_start_0:
0x88: {  	s2 =	sld [smem:$0x3FD9]  }
0x89: {  	s3 =	sld [smem:$0x3FFE];
	_ =	sdelay $0x1  }
0x8a: {  	s1 =	srdreg.scid  }
0x8b: {  	s0 =	sand.u32 $0x1, s1  }
0x8c: {  	s16 =	sshll.u32 s0, $0xA;
	s2 =	sadd.s32 s3, s2  }
0x8d: {  	s2 =	sadd.s32 s2, s16  }
0x8e: {  	[smem:$0x3FBD] =	sst s2  }
0x8f: {  	_ = 	snop  }
0x90: {  	(tm) =	ssettm $0x1  }
0x91: {  	s17 =	sld [smem:$0x3FFB];
	_ =	sdelay $0x3  }
0x92: {  	_ =	strace s17  }
0x93: {  	s2 =	sld [smem:$0x3FFC];
	_ =	sdelay $0x3  }
0x94: {  	_ =	strace s2  }
0x95: {  	s2 =	sld [smem:$0x3FFD];
	_ =	sdelay $0x3  }
0x96: {  	_ =	strace s2  }
0x97: {  	_ =	strace $0x8FFFFFFF  }
0x98: {  	s18 =	sld [smem:$0x3FDB];
	_ =	sdelay $0x1  }
0x99: {  	s19 =	simm.s32 $_scs_section_size  }
0x9a: {  	s4 =	simm.s32 $_size__tile_overlayer_lowered;
	s5 =	simm.s32 $_tile_overlayer_lowered  }
0x9b: {  	s22 =	simm.s32 $0x1BFF;
	s21 =	sshll.u32 s5, $0x1;
	s2 =	sadd.s32 s19, s18  }
0x9c: {  	s6 =	simm.s32 $0x0;
	s20 =	sshll.u32 s4, $0x1;
	s4 =	sadd.s32 s21, s2  }
0x9d: {  	[timem:s6], [sflag:s22] =	dma.local [hbm:s4], s20  }
0x9e: {  	_ =	swait.ge [sflag:s22], s20  }
0x9f: {  	s3 =	ssub.s32 $0x0, s20;
	[sflag:s22] =	ssyncset.done $0x0  }
0xa0: {  	[sflag:s22] =	ssyncadd.s32 s3;
	_ =	sdelay $0x1  }
0xa1: {  	s23 =	simm.s32 $0x1B8B  }
0xa2: {  	_ =	swait.ge [sflag:s23], $0x1  }
0xa3: {  	[sflag:s23] =	ssyncset.done $0x0  }
0xa4: {  	s25 =	simm.s32 $0x1B8E;
	s24 =	sld [smem:$0x3FFE];
	[sflag:s23] =	ssyncadd.s32 $0xFFFFFFFF  }
0xa5: {  	s26 =	simm.s32 $execute0_lowered;
	[smem:$0x3FD2] =	sst s25  }
0xa6: {  	s4 =	sshll.u32 s26, $0x1;
	_ =	strace $0x80000049;
	[dreg:$0x1] =	wrdreg $0xFFFFFFFF  }
0xa7: {  	s28 =	simm.s32 $_size_execute0_lowered;
	s2 =	sadd.s32 s2, s4;
	[dreg:$0x0] =	wrdreg $0x0  }
0xa8: {  	s4 =	sshll.u32 s28, $0x1;
	[dreg:$0x2] =	wrdreg s2  }
0xa9: {  	[dreg:$0x3] =	wrdreg s4  }
0xaa: {  	[dreg:$0x4] =	wrdreg $0xC0  }
0xab: {  	_ =	task [dreg:s6], $0x5FFFF  }
0xac: {  	[dreg:$0x1] =	wrdreg $0xFFFFFFFF  }
0xad: {  	[dreg:$0x0] =	wrdreg $0x60  }
0xae: {  	[dreg:$0x2] =	wrdreg s24  }
0xaf: {  	[dreg:$0x3] =	wrdreg $0x0  }
0xb0: {  	[dreg:$0x4] =	wrdreg $0x9  }
0xb1: {  	_ =	task.clear_ibuf [dreg:s6], $0x5FFFF;
	_ =	strace $0x90000049  }
0xb2: {  	s29 =	simm.s32 $0x9;
	_ =	strace $0x8000004B  }
0xb3: {  	_ =	swait.ge [sflag:s29], $0x1  }
0xb4: {  	[sflag:s29] =	ssyncadd.s32 $0xFFFFFFFF  }
0xb5: {  	_ =	strace $0x9000004B  }
0xb6: {  	_ =	sfence  }
0xb7: {  	s30 =	sld [smem:$0x0];
	_ =	sdelay $0x2  }
0xb8: {  	s31 =	sshll.u32 s1, $0xD;
	s1 =	sshrl.u32 s1, $0x2  }
0xb9: {  	s3 =	sand.u32 $0x4000, s31;
	s1 =	sadd.s32 s1, s30  }
0xba: {  	s0 =	sor.u32 s3, s0;
	s1 =	sshll.u32 s1, $0x11  }
0xbb: {  	s0 =	sor.u32 s1, s0  }
0xbc: {  	s0 =	sadd.s32 $0x8F2B, s0  }
0xbd: {  	[sflag:s0] =	ssyncadd.remote.s32 $0x1  }
0xbe: {  	_ =	sfence.sel $0xFFFF  }
0xbf: {  	[dreg:$0x0] =	wrdreg $0xFFFFFFFF;
	(pc) =	sbr.abs _section_cstart, $3  }
0xc0: {  	[dreg:$0x1] =	wrdreg $0xFFFFFFFF  }
0xc1: {  	_ =	task.clear_ibuf [dreg:s6], $0x2FFFF;
	_ =	strace $0x9FFFFFFF  }
0xc2: {  	(tm) =	ssettm $0x7FFFFFFF  }
0xc3: {  	_ =	shalt  }
tec
execute0_lowered:
.L_overlay_start_1:
0x0: {  	(tag) =	ssettag $0x1  }
0x1: {  	s0 =	rddreg [dreg:$0x0]  }
0x2: {  	s2 =	rddreg [dreg:$0x1]  }
0x3: {  	s1 =	srdreg.scid;
	s16 =	simm.s32 $0x0;
	s9 =	stileid.u32  }
0x4: {  	s13 =	simm.s32 $0x5;
	s14 =	simm.s32 $0xA000;
	s15 =	simm.s32 $0x80  }
0x5: {  	s19 =	simm.s32 $0xA100;
	s20 =	simm.s32 $0xC200;
	s21 =	simm.s32 $0xA180  }
0x6: {  	s22 =	simm.s32 $0x10200;
	s23 =	simm.s32 $0x1;
	s24 =	simm.s32 $0x3  }
0x7: {  	s25 =	simm.s32 $0x14A00;
	s28 =	simm.s32 $0x4;
	s30 =	simm.s32 $0x0  }
0x8: {  	s1 =	sand.u32 $0x1, s1;
	[smem:$0x7FF] =	sst s16;
	s3 =	smul.u32 $0xA000, s9  }
0x9: {  	v0 =	vlaneseq.u32;
	s31 =	sshll.u32 s9, $0x6;
	s4 =	sshll.u32 s1, $0x4;
	_ =	strace $0x8000004A  }
0xa: {  	v0 =	vmul.u32 $0x11, v0;
	s1 =	ssub.s32 $0x2, s1;
	s5 =	sor.u32 s9, s4;
	s26 =	sshrl.u32 s3, $0x3  }
0xb: {  	s4 =	sadd.s32 $0x42600, s0;
	s8 =	sshrl.u32 s1, $0x1;
	s6 =	smul.u32 $0x500, s5  }
0xc: {  	s3 =	sadd.s32 s3, s2;
	v1 =	vadd.s32 $0x1, v0;
	v2 =	vadd.s32 $0x2, v0;
	v3 =	vadd.s32 $0x3, v0;
	s7 =	sadd.s32 s26, s0;
	s29 =	smul.u32 $0xA00, s5  }
0xd: {  	v4 =	vadd.s32 $0x4, v0;
	v5 =	vadd.s32 $0x5, v0;
	v6 =	vadd.s32 $0x6, v0;
	s1 =	ssub.s32 s1, s8;
	s5 =	smul.u32 $0x50, s5;
	s12 =	sshrl.u32 s3, $0x3  }
0xe: {  	v7 =	vadd.s32 $0x7, v0;
	v8 =	vadd.s32 $0x8, v0;
	v9 =	vadd.s32 $0x9, v0;
	s26 =	simm.s32 $0x2;
	s7 =	sadd.s32 $0x2E600, s7;
	s11 =	smax.u32 s1, $0x1  }
0xf: {  	v10 =	vadd.s32 $0xA, v0;
	v11 =	vadd.s32 $0xB, v0;
	v12 =	vadd.s32 $0xC, v0;
	s0 =	sadd.s32 s6, s0;
	[dreg:$0x3] =	wrdreg s7;
	s7 =	sor.u32 $0x1C05, s31  }
0x10: {  	v13 =	vadd.s32 $0xD, v0;
	v14 =	vadd.s32 $0xE, v0;
	v15 =	vadd.s32 $0xF, v0;
	s8 =	sadd.s32 s4, s29;
	s9 =	sor.u32 $0x2, s5;
	s10 =	sadd.s32 $0x1400, s0  }
.LBB2_1:
0x11: {  	s0 =	rddreg [dreg:$0x3]  }
0x12: {  	[spmem:s12], [sflag:s7] =	dma.local [hbm:s0], $0x1400  }
0x13: {  	_ =	swait.ge [sflag:s13], $0x1400  }
0x14: {  	[sflag:s13] =	ssyncset.done $0x0  }
0x15: {  	[sflag:s13] =	ssyncadd.s32 $0xFFFFEC00  }
0x16: {  	[bflag:$0x0] =	sbarrier.arrive $0xFFFF  }
0x17: {  	[tilespmem:s14], [sflag:$0x5] =	stream.linear.gather [hbm4b:s8+s16], $0x100, $0x38;
	[tilespmem:$0x14B10] =	vst v63  }
0x18: {  	_ =	swait.ge [sflag:s13], $0x100  }
0x19: {  	[sflag:s13] =	ssyncset.done $0x0  }
0x1a: {  	s18 =	simm.s32 $0xA200;
	[sflag:s13] =	ssyncadd.s32 $0xFFFFFF00  }
0x1b: {  	[tilespmem:s18], [sflag:$0x1] =	stream.indirect.gather [spmem:s2], $0x40, s14, s15, $0xb8;
	[tilespmem:$0x14B10] =	vst v63  }
0x1c: {  	s29 =	simm.s32 $0xA080;
	s1 =	simm.s32 $0xE200;
	s31 =	simm.s32 $0x0  }
0x1d: {  	[tilespmem:s1], [sflag:$0x3] =	stream.indirect.gather [spmem:s2], $0x40, s29, s15, $0xb8;
	[tilespmem:$0x14B10] =	vst v63  }
.LBB2_2:
0x1e: {  	s0 =	sshllo.u32 s31, $0x1  }
0x1f: {  	s1 =	sadd.s32 s5, s0  }
0x20: {  	s1 =	sshll.u32 s1, $0x5  }
0x21: {  	s1 =	sand.u32 $0x1FFFFFE0, s1  }
0x22: {  	s3 =	sadd.s32 s4, s1;
	s1 =	simm.s32 $0x0  }
0x23: {  	[tilespmem:s19], [sflag:$0x5] =	stream.linear.gather [hbm4b:s3+s1], $0x100, $0x38;
	[tilespmem:$0x14B10] =	vst v63  }
0x24: {  	_ =	swait.ge [sflag:s13], $0x100  }
0x25: {  	[sflag:s13] =	ssyncset.done $0x0  }
0x26: {  	[sflag:s13] =	ssyncadd.s32 $0xFFFFFF00  }
0x27: {  	[tilespmem:s20], [sflag:$0x2] =	stream.indirect.gather [spmem:s2], $0x40, s19, s15, $0xb8;
	[tilespmem:$0x14B10] =	vst v63  }
0x28: {  	_ = 	snop  }
0x29: {  	[tilespmem:s22], [sflag:$0x4] =	stream.indirect.gather [spmem:s2], $0x40, s21, s15, $0xb8;
	[tilespmem:$0x14B10] =	vst v63  }
0x2a: {  	_ =	swait.ge [sflag:s23], $0x2000  }
0x2b: {  	[sflag:s23] =	ssyncset.done $0x0  }
0x2c: {  	s29 =	sshll.u32 s31, $0x8;
	[sflag:s23] =	ssyncadd.s32 $0xFFFFE000  }
0x2d: {  	s3 =	sand.u32 $0x3FFFFF00, s29;
	_ =	swait.ge [sflag:s24], $0x2000  }
0x2e: {  	s16 =	sshll.u32 s31, $0x1;
	s3 =	sadd.s32 $0x12200, s3;
	[sflag:s24] =	ssyncset.done $0x0  }
0x2f: {  	s17 =	simm.s32 $0xA220;
	s18 =	simm.s32 $0xE230;
	v16 =	vmov s3;
	[sflag:s24] =	ssyncadd.s32 $0xFFFFE000  }
.LBB2_3:
0x30: {  	v18 =	vmov s18  }
0x31: {  	v17 =	vmov s17;
	_ =	sdelay $0x2  }
0x32: {  	s3 =	simm.s32 $0x0  }
0x33: {  	v19 =	vld.idx.msk [tilespmem:v18+s3+$0xFFFFFFD0 ss:$0x1], $0xffff  }
0x34: {  	v20 =	vld.idx.msk [tilespmem:v17+s3+$0xFFFFFFE0 ss:$0x1], $0xffff  }
0x35: {  	v21 =	vld.idx.msk [tilespmem:v18+s3+$0xFFFFFFE0 ss:$0x1], $0xffff  }
0x36: {  	v22 =	vld.idx.msk [tilespmem:v17+s3+$0xFFFFFFF0 ss:$0x1], $0xffff  }
0x37: {  	v23 =	vld.idx.msk [tilespmem:v18+s3+$0xFFFFFFF0 ss:$0x1], $0xffff  }
0x38: {  	v24 =	vld.idx.msk [tilespmem:v17+s3+$0x0 ss:$0x1], $0xffff  }
0x39: {  	v25 =	vld.idx.msk [tilespmem:v18+s3+$0x0 ss:$0x1], $0xffff  }
0x3a: {  	v26 =	vld.idx.msk [tilespmem:v17+s3+$0x10 ss:$0x1], $0xffff;
	_ =	sdelay $0x2  }
0x3b: {  	v19 =	vmul.bf16 v19, v20  }
0x3c: {  	v20 =	vmul.bf16 v21, v22  }
0x3d: {  	v22 =	vmul.bf16 v23, v24;
	v24 =	vmul.bf16 v25, v26;
	v21 =	vunpack.i.u.bf16.f32 v19  }
0x3e: {  	v19 =	vunpack.i.l.bf16.f32 v19;
	v23 =	vunpack.i.u.bf16.f32 v20;
	v20 =	vunpack.i.l.bf16.f32 v20  }
0x3f: {  	v25 =	vunpack.i.u.bf16.f32 v22;
	v19 =	vadd.f32 v19, v21;
	v20 =	vadd.f32 v20, v23  }
0x40: {  	v21 =	vunpack.i.l.bf16.f32 v22;
	v22 =	vunpack.i.u.bf16.f32 v24;
	v23 =	vunpack.i.l.bf16.f32 v24  }
0x41: {  	v21 =	vadd.f32 v21, v25;
	v22 =	vadd.f32 v23, v22;
	_ =	sdelay $0x1  }
0x42: {  	v19 =	vadd.f32 v20, v19;
	v20 =	vadd.f32 v22, v21;
	_ =	sdelay $0x1  }
0x43: {  	v19 =	vadd.f32 v20, v19  }
0x44: {  	s29 =	simm.s32 $0x14A00  }
0x45: {  	s6 =	simm.s32 $0x40;
	[tilespmem:s29+$0x0] =	vst v19  }
0x46: {  	v19 =	vld.idx.msk [tilespmem:v18+s6+$0xFFFFFFD0 ss:$0x1], $0xffff  }
0x47: {  	v22 =	vld.idx.msk [tilespmem:v17+s6+$0xFFFFFFE0 ss:$0x1], $0xffff  }
0x48: {  	v23 =	vld.idx.msk [tilespmem:v18+s6+$0xFFFFFFE0 ss:$0x1], $0xffff  }
0x49: {  	v25 =	vld.idx.msk [tilespmem:v17+s6+$0xFFFFFFF0 ss:$0x1], $0xffff  }
0x4a: {  	v21 =	vld.idx.msk [tilespmem:v18+s6+$0xFFFFFFF0 ss:$0x1], $0xffff  }
0x4b: {  	v24 =	vld.idx.msk [tilespmem:v17+s6+$0x0 ss:$0x1], $0xffff  }
0x4c: {  	s3 =	simm.s32 $0x200;
	v20 =	vld.idx.msk [tilespmem:v18+s6+$0x0 ss:$0x1], $0xffff  }
.LBB2_4:
0x4d: {  	p0 =	sne.s32 s3, $0xF00;
	v26 =	vld.idx.msk [tilespmem:v17+s6+$0x10 ss:$0x1], $0xffff;
	_ =	sdelay $0x2  }
0x4e: {  	v19 =	vmul.bf16 v19, v22  }
0x4f: {  	v22 =	vmul.bf16 v23, v25  }
0x50: {  	v23 =	vunpack.i.u.bf16.f32 v19;
	v19 =	vunpack.i.l.bf16.f32 v19;
	v21 =	vmul.bf16 v21, v24  }
0x51: {  	v24 =	vunpack.i.u.bf16.f32 v22;
	v22 =	vunpack.i.l.bf16.f32 v22;
	v20 =	vmul.bf16 v20, v26  }
0x52: {  	v19 =	vadd.f32 v19, v23;
	v22 =	vadd.f32 v22, v24;
	v25 =	vunpack.i.u.bf16.f32 v21  }
0x53: {  	v21 =	vunpack.i.l.bf16.f32 v21;
	v23 =	vunpack.i.u.bf16.f32 v20;
	v20 =	vunpack.i.l.bf16.f32 v20  }
0x54: {  	v21 =	vadd.f32 v21, v25;
	v20 =	vadd.f32 v20, v23;
	_ =	sdelay $0x1  }
0x55: {  	v19 =	vadd.f32 v22, v19;
	v20 =	vadd.f32 v20, v21;
	_ =	sdelay $0x1  }
0x56: {  	v19 =	vadd.f32 v20, v19  }
0x57: {  	s29 =	sadd.s32 $0x11, s29  }
0x58: {  	s6 =	sshra.s32 s3, $0x2;
	[tilespmem:s29+$0x0] =	vst v19  }
0x59: {  	v19 =	vld.idx.msk [tilespmem:v18+s6+$0xFFFFFFD0 ss:$0x1], $0xffff  }
0x5a: {  	v22 =	vld.idx.msk [tilespmem:v17+s6+$0xFFFFFFE0 ss:$0x1], $0xffff  }
.Ltmp0:
0x5b: {  	v23 =	vld.idx.msk [tilespmem:v18+s6+$0xFFFFFFE0 ss:$0x1], $0xffff;
	(pc) =	sbr.rel @p0 .LBB2_4-.Ltmp0, $4  }
0x5c: {  	v25 =	vld.idx.msk [tilespmem:v17+s6+$0xFFFFFFF0 ss:$0x1], $0xffff  }
0x5d: {  	v21 =	vld.idx.msk [tilespmem:v18+s6+$0xFFFFFFF0 ss:$0x1], $0xffff  }
0x5e: {  	v24 =	vld.idx.msk [tilespmem:v17+s6+$0x0 ss:$0x1], $0xffff  }
0x5f: {  	s3 =	sadd.s32 $0x100, s3;
	v20 =	vld.idx.msk [tilespmem:v18+s6+$0x0 ss:$0x1], $0xffff  }
0x60: {  	_ =	sdelay $0x3  }
0x61: {  	v17 =	vld.idx.msk [tilespmem:v17+s6+$0x10 ss:$0x1], $0xffff;
	_ =	sdelay $0x1  }
0x62: {  	v18 =	vmul.bf16 v19, v22  }
0x63: {  	v19 =	vmul.bf16 v23, v25  }
0x64: {  	v22 =	vunpack.i.u.bf16.f32 v18;
	v18 =	vunpack.i.l.bf16.f32 v18;
	v21 =	vmul.bf16 v21, v24  }
0x65: {  	v23 =	vunpack.i.u.bf16.f32 v19;
	v19 =	vunpack.i.l.bf16.f32 v19;
	v17 =	vmul.bf16 v20, v17  }
0x66: {  	v18 =	vadd.f32 v18, v22;
	v19 =	vadd.f32 v19, v23;
	v57 =	vunpack.i.u.bf16.f32 v21  }
0x67: {  	v21 =	vunpack.i.l.bf16.f32 v21;
	v58 =	vunpack.i.u.bf16.f32 v17;
	v17 =	vunpack.i.l.bf16.f32 v17  }
0x68: {  	v20 =	vadd.f32 v21, v57;
	v17 =	vadd.f32 v17, v58;
	_ =	sdelay $0x1  }
0x69: {  	v18 =	vadd.f32 v19, v18;
	v17 =	vadd.f32 v17, v20;
	_ =	sdelay $0x1  }
0x6a: {  	v17 =	vadd.f32 v17, v18  }
0x6b: {  	s3 =	sadd.s32 $0x11, s29  }
0x6c: {  	[tilespmem:s3+$0x0] =	vst v17  }
0x6d: {  	v17 =	vld.idx.msk [tilespmem:v0+s25+$0x0], $0xffff;
	_ =	sdelay $0x1  }
0x6e: {  	v18 =	vld.idx.msk [tilespmem:v1+s25+$0x0], $0xffff;
	_ =	sdelay $0x1  }
0x6f: {  	v19 =	vld.idx.msk [tilespmem:v2+s25+$0x0], $0xffff  }
0x70: {  	v17 =	vadd.f32 $0.0e+00, v17  }
0x71: {  	v59 =	vld.idx.msk [tilespmem:v3+s25+$0x0], $0xffff  }
0x72: {  	v17 =	vadd.f32 v18, v17  }
0x73: {  	v18 =	vld.idx.msk [tilespmem:v4+s25+$0x0], $0xffff  }
0x74: {  	v17 =	vadd.f32 v19, v17  }
0x75: {  	v19 =	vld.idx.msk [tilespmem:v5+s25+$0x0], $0xffff  }
0x76: {  	v17 =	vadd.f32 v59, v17  }
0x77: {  	v60 =	vld.idx.msk [tilespmem:v6+s25+$0x0], $0xffff  }
0x78: {  	v17 =	vadd.f32 v18, v17  }
0x79: {  	v18 =	vld.idx.msk [tilespmem:v7+s25+$0x0], $0xffff  }
0x7a: {  	v17 =	vadd.f32 v19, v17  }
0x7b: {  	v19 =	vld.idx.msk [tilespmem:v8+s25+$0x0], $0xffff  }
0x7c: {  	v17 =	vadd.f32 v60, v17  }
0x7d: {  	v61 =	vld.idx.msk [tilespmem:v9+s25+$0x0], $0xffff  }
0x7e: {  	v17 =	vadd.f32 v18, v17  }
0x7f: {  	v18 =	vld.idx.msk [tilespmem:v10+s25+$0x0], $0xffff  }
0x80: {  	v17 =	vadd.f32 v19, v17  }
0x81: {  	v19 =	vld.idx.msk [tilespmem:v11+s25+$0x0], $0xffff  }
0x82: {  	v17 =	vadd.f32 v61, v17  }
0x83: {  	v62 =	vld.idx.msk [tilespmem:v12+s25+$0x0], $0xffff  }
0x84: {  	v17 =	vadd.f32 v18, v17  }
0x85: {  	v18 =	vld.idx.msk [tilespmem:v13+s25+$0x0], $0xffff  }
0x86: {  	v17 =	vadd.f32 v19, v17  }
0x87: {  	v19 =	vld.idx.msk [tilespmem:v14+s25+$0x0], $0xffff  }
0x88: {  	v17 =	vadd.f32 v62, v17  }
0x89: {  	v63 =	vld.idx.msk [tilespmem:v15+s25+$0x0], $0xffff  }
0x8a: {  	s29 =	sshll.u32 s1, $0x4;
	s1 =	sadd.s32 $0x1, s1;
	v17 =	vadd.f32 v18, v17  }
0x8b: {  	p0 =	sne.s32 s1, $0x8  }
.Ltmp1:
0x8c: {  	v17 =	vadd.f32 v19, v17;
	(pc) =	sbr.rel @p0 .LBB2_3-.Ltmp1, $4  }
0x8d: {  	_ = 	snop  }
0x8e: {  	v17 =	vadd.f32 v63, v17  }
0x8f: {  	s3 =	sand.u32 $0x3FFFFFF0, s29  }
0x90: {  	s17 =	sadd.s32 $0x400, s17;
	s18 =	sadd.s32 $0x400, s18;
	[tilespmem:v16+s3+$0x0 ss:$0x1] =	vst.idx.msk $0xffff, v17  }
0x91: {  	p0 =	seq.s32 s31, $0x27  }
0x92: {  	s1 =	sadd.s32 @!p0 s16, s9  }
0x93: {  	s1 =	sshll.u32 @!p0 s1, $0x5  }
0x94: {  	s1 =	sand.u32 @!p0 $0x1FFFFFC0, s1  }
0x95: {  	s3 =	simm.s32 @!p0 $0x0;
	s6 =	simm.s32 @!p0 $0xA000;
	s1 =	sadd.s32 @!p0 s4, s1  }
0x96: {  	[tilespmem:s6], [sflag:$0x5] =	stream.linear.gather @!p0 [hbm4b:s1+s3], $0x100, $0x38;
	[tilespmem:$0x14B10] =	vst v63  }
0x97: {  	s1 =	simm.s32 @!p0 $0x5  }
0x98: {  	_ =	swait.ge @!p0 [sflag:s1], $0x100  }
0x99: {  	[sflag:s1] =	ssyncset.done @!p0 $0x0  }
0x9a: {  	s3 =	simm.s32 @!p0 $0xA200;
	[sflag:s1] =	ssyncadd.s32 @!p0 $0xFFFFFF00;
	s1 =	simm.s32 @!p0 $0x80  }
0x9b: {  	[tilespmem:s3], [sflag:$0x1] =	stream.indirect.gather @!p0 [spmem:s2], $0x40, s6, s1, $0xb8;
	[tilespmem:$0x14B10] =	vst v63  }
0x9c: {  	s3 =	simm.s32 @!p0 $0xA080;
	s6 =	simm.s32 @!p0 $0xE200  }
0x9d: {  	[tilespmem:s6], [sflag:$0x3] =	stream.indirect.gather @!p0 [spmem:s2], $0x40, s3, s1, $0xb8;
	[tilespmem:$0x14B10] =	vst v63  }
0x9e: {  	_ =	swait.ge [sflag:s26], $0x2000  }
0x9f: {  	[sflag:s26] =	ssyncset.done $0x0  }
0xa0: {  	s0 =	sshll.u32 s0, $0x7;
	[sflag:s26] =	ssyncadd.s32 $0xFFFFE000  }
0xa1: {  	s0 =	sand.u32 $0x3FFFFF80, s0;
	_ =	swait.ge [sflag:s28], $0x2000  }
0xa2: {  	s16 =	simm.s32 $0x10200;
	s29 =	sadd.s32 $0x12200, s0;
	[sflag:s28] =	ssyncset.done $0x0  }
0xa3: {  	s0 =	simm.s32 $0x0;
	v16 =	vmov s29;
	s1 =	simm.s32 $0xC200;
	[sflag:s28] =	ssyncadd.s32 $0xFFFFE000  }
.LBB2_7:
0xa4: {  	v18 =	vmov s16  }
0xa5: {  	v17 =	vmov s1;
	_ =	sdelay $0x2  }
0xa6: {  	s3 =	simm.s32 $0x0  }
0xa7: {  	v19 =	vld.idx.msk [tilespmem:v18+s3+$0x0 ss:$0x1], $0xffff  }
0xa8: {  	v20 =	vld.idx.msk [tilespmem:v17+s3+$0x0 ss:$0x1], $0xffff  }
0xa9: {  	v21 =	vld.idx.msk [tilespmem:v18+s3+$0x10 ss:$0x1], $0xffff  }
0xaa: {  	v22 =	vld.idx.msk [tilespmem:v17+s3+$0x10 ss:$0x1], $0xffff  }
0xab: {  	v23 =	vld.idx.msk [tilespmem:v18+s3+$0x20 ss:$0x1], $0xffff  }
0xac: {  	v24 =	vld.idx.msk [tilespmem:v17+s3+$0x20 ss:$0x1], $0xffff  }
0xad: {  	v25 =	vld.idx.msk [tilespmem:v18+s3+$0x30 ss:$0x1], $0xffff  }
0xae: {  	v26 =	vld.idx.msk [tilespmem:v17+s3+$0x30 ss:$0x1], $0xffff;
	_ =	sdelay $0x2  }
0xaf: {  	v19 =	vmul.bf16 v19, v20  }
0xb0: {  	v20 =	vmul.bf16 v21, v22  }
0xb1: {  	v22 =	vmul.bf16 v23, v24;
	v24 =	vmul.bf16 v25, v26;
	v21 =	vunpack.i.u.bf16.f32 v19  }
0xb2: {  	v19 =	vunpack.i.l.bf16.f32 v19;
	v23 =	vunpack.i.u.bf16.f32 v20;
	v20 =	vunpack.i.l.bf16.f32 v20  }
0xb3: {  	v25 =	vunpack.i.u.bf16.f32 v22;
	v19 =	vadd.f32 v19, v21;
	v20 =	vadd.f32 v20, v23  }
0xb4: {  	v21 =	vunpack.i.l.bf16.f32 v22;
	v22 =	vunpack.i.u.bf16.f32 v24;
	v23 =	vunpack.i.l.bf16.f32 v24  }
0xb5: {  	v21 =	vadd.f32 v21, v25;
	v22 =	vadd.f32 v23, v22;
	_ =	sdelay $0x1  }
0xb6: {  	v19 =	vadd.f32 v20, v19;
	v20 =	vadd.f32 v22, v21;
	_ =	sdelay $0x1  }
0xb7: {  	v19 =	vadd.f32 v20, v19  }
0xb8: {  	s17 =	simm.s32 $0x14A00  }
0xb9: {  	s6 =	simm.s32 $0x40;
	[tilespmem:s17+$0x0] =	vst v19  }
0xba: {  	v19 =	vld.idx.msk [tilespmem:v18+s6+$0x0 ss:$0x1], $0xffff  }
0xbb: {  	v22 =	vld.idx.msk [tilespmem:v17+s6+$0x0 ss:$0x1], $0xffff  }
0xbc: {  	v23 =	vld.idx.msk [tilespmem:v18+s6+$0x10 ss:$0x1], $0xffff  }
0xbd: {  	v25 =	vld.idx.msk [tilespmem:v17+s6+$0x10 ss:$0x1], $0xffff  }
0xbe: {  	v21 =	vld.idx.msk [tilespmem:v18+s6+$0x20 ss:$0x1], $0xffff  }
0xbf: {  	v24 =	vld.idx.msk [tilespmem:v17+s6+$0x20 ss:$0x1], $0xffff  }
0xc0: {  	s3 =	simm.s32 $0x200;
	v20 =	vld.idx.msk [tilespmem:v18+s6+$0x30 ss:$0x1], $0xffff  }
.LBB2_8:
0xc1: {  	p0 =	sne.s32 s3, $0xF00;
	v26 =	vld.idx.msk [tilespmem:v17+s6+$0x30 ss:$0x1], $0xffff;
	_ =	sdelay $0x2  }
0xc2: {  	v19 =	vmul.bf16 v19, v22  }
0xc3: {  	v22 =	vmul.bf16 v23, v25  }
0xc4: {  	v23 =	vunpack.i.u.bf16.f32 v19;
	v19 =	vunpack.i.l.bf16.f32 v19;
	v21 =	vmul.bf16 v21, v24  }
0xc5: {  	v24 =	vunpack.i.u.bf16.f32 v22;
	v22 =	vunpack.i.l.bf16.f32 v22;
	v20 =	vmul.bf16 v20, v26  }
0xc6: {  	v19 =	vadd.f32 v19, v23;
	v22 =	vadd.f32 v22, v24;
	v25 =	vunpack.i.u.bf16.f32 v21  }
0xc7: {  	v21 =	vunpack.i.l.bf16.f32 v21;
	v23 =	vunpack.i.u.bf16.f32 v20;
	v20 =	vunpack.i.l.bf16.f32 v20  }
0xc8: {  	v21 =	vadd.f32 v21, v25;
	v20 =	vadd.f32 v20, v23;
	_ =	sdelay $0x1  }
0xc9: {  	v19 =	vadd.f32 v22, v19;
	v20 =	vadd.f32 v20, v21;
	_ =	sdelay $0x1  }
0xca: {  	v19 =	vadd.f32 v20, v19  }
0xcb: {  	s17 =	sadd.s32 $0x11, s17  }
0xcc: {  	s6 =	sshra.s32 s3, $0x2;
	[tilespmem:s17+$0x0] =	vst v19  }
0xcd: {  	v19 =	vld.idx.msk [tilespmem:v18+s6+$0x0 ss:$0x1], $0xffff  }
0xce: {  	v22 =	vld.idx.msk [tilespmem:v17+s6+$0x0 ss:$0x1], $0xffff  }
.Ltmp2:
0xcf: {  	v23 =	vld.idx.msk [tilespmem:v18+s6+$0x10 ss:$0x1], $0xffff;
	(pc) =	sbr.rel @p0 .LBB2_8-.Ltmp2, $4  }
0xd0: {  	v25 =	vld.idx.msk [tilespmem:v17+s6+$0x10 ss:$0x1], $0xffff  }
0xd1: {  	v21 =	vld.idx.msk [tilespmem:v18+s6+$0x20 ss:$0x1], $0xffff  }
0xd2: {  	v24 =	vld.idx.msk [tilespmem:v17+s6+$0x20 ss:$0x1], $0xffff  }
0xd3: {  	s3 =	sadd.s32 $0x100, s3;
	v20 =	vld.idx.msk [tilespmem:v18+s6+$0x30 ss:$0x1], $0xffff  }
0xd4: {  	_ =	sdelay $0x3  }
0xd5: {  	v17 =	vld.idx.msk [tilespmem:v17+s6+$0x30 ss:$0x1], $0xffff;
	_ =	sdelay $0x1  }
0xd6: {  	v18 =	vmul.bf16 v19, v22  }
0xd7: {  	v19 =	vmul.bf16 v23, v25  }
0xd8: {  	v22 =	vunpack.i.u.bf16.f32 v18;
	v18 =	vunpack.i.l.bf16.f32 v18;
	v21 =	vmul.bf16 v21, v24  }
0xd9: {  	v23 =	vunpack.i.u.bf16.f32 v19;
	v19 =	vunpack.i.l.bf16.f32 v19;
	v17 =	vmul.bf16 v20, v17  }
0xda: {  	v18 =	vadd.f32 v18, v22;
	v19 =	vadd.f32 v19, v23;
	v57 =	vunpack.i.u.bf16.f32 v21  }
0xdb: {  	v21 =	vunpack.i.l.bf16.f32 v21;
	v58 =	vunpack.i.u.bf16.f32 v17;
	v17 =	vunpack.i.l.bf16.f32 v17  }
0xdc: {  	v20 =	vadd.f32 v21, v57;
	v17 =	vadd.f32 v17, v58;
	_ =	sdelay $0x1  }
0xdd: {  	v18 =	vadd.f32 v19, v18;
	v17 =	vadd.f32 v17, v20;
	_ =	sdelay $0x1  }
0xde: {  	v17 =	vadd.f32 v17, v18  }
0xdf: {  	s3 =	sadd.s32 $0x11, s17  }
0xe0: {  	[tilespmem:s3+$0x0] =	vst v17  }
0xe1: {  	v17 =	vld.idx.msk [tilespmem:v0+s25+$0x0], $0xffff;
	_ =	sdelay $0x1  }
0xe2: {  	v18 =	vld.idx.msk [tilespmem:v1+s25+$0x0], $0xffff;
	_ =	sdelay $0x1  }
0xe3: {  	v19 =	vld.idx.msk [tilespmem:v2+s25+$0x0], $0xffff  }
0xe4: {  	v17 =	vadd.f32 $0.0e+00, v17  }
0xe5: {  	v59 =	vld.idx.msk [tilespmem:v3+s25+$0x0], $0xffff  }
0xe6: {  	v17 =	vadd.f32 v18, v17  }
0xe7: {  	v18 =	vld.idx.msk [tilespmem:v4+s25+$0x0], $0xffff  }
0xe8: {  	v17 =	vadd.f32 v19, v17  }
0xe9: {  	v19 =	vld.idx.msk [tilespmem:v5+s25+$0x0], $0xffff  }
0xea: {  	v17 =	vadd.f32 v59, v17  }
0xeb: {  	v60 =	vld.idx.msk [tilespmem:v6+s25+$0x0], $0xffff  }
0xec: {  	v17 =	vadd.f32 v18, v17  }
0xed: {  	v18 =	vld.idx.msk [tilespmem:v7+s25+$0x0], $0xffff  }
0xee: {  	v17 =	vadd.f32 v19, v17  }
0xef: {  	v19 =	vld.idx.msk [tilespmem:v8+s25+$0x0], $0xffff  }
0xf0: {  	v17 =	vadd.f32 v60, v17  }
0xf1: {  	v61 =	vld.idx.msk [tilespmem:v9+s25+$0x0], $0xffff  }
0xf2: {  	v17 =	vadd.f32 v18, v17  }
0xf3: {  	v18 =	vld.idx.msk [tilespmem:v10+s25+$0x0], $0xffff  }
0xf4: {  	v17 =	vadd.f32 v19, v17  }
0xf5: {  	v19 =	vld.idx.msk [tilespmem:v11+s25+$0x0], $0xffff  }
0xf6: {  	v17 =	vadd.f32 v61, v17  }
0xf7: {  	v62 =	vld.idx.msk [tilespmem:v12+s25+$0x0], $0xffff  }
0xf8: {  	v17 =	vadd.f32 v18, v17  }
0xf9: {  	v18 =	vld.idx.msk [tilespmem:v13+s25+$0x0], $0xffff  }
0xfa: {  	v17 =	vadd.f32 v19, v17  }
0xfb: {  	v19 =	vld.idx.msk [tilespmem:v14+s25+$0x0], $0xffff  }
0xfc: {  	v17 =	vadd.f32 v62, v17  }
0xfd: {  	v63 =	vld.idx.msk [tilespmem:v15+s25+$0x0], $0xffff  }
0xfe: {  	s29 =	sshll.u32 s0, $0x4;
	s0 =	sadd.s32 $0x1, s0;
	v17 =	vadd.f32 v18, v17  }
0xff: {  	p0 =	sne.s32 s0, $0x8  }
.Ltmp3:
0x100: {  	v17 =	vadd.f32 v19, v17;
	(pc) =	sbr.rel @p0 .LBB2_7-.Ltmp3, $4  }
0x101: {  	_ = 	snop  }
0x102: {  	v17 =	vadd.f32 v63, v17  }
0x103: {  	s3 =	sand.u32 $0x3FFFFFF0, s29  }
0x104: {  	s1 =	sadd.s32 $0x400, s1;
	s16 =	sadd.s32 $0x400, s16;
	[tilespmem:v16+s3+$0x0 ss:$0x1] =	vst.idx.msk $0xffff, v17  }
0x105: {  	s31 =	sadd.s32 $0x1, s31  }
0x106: {  	p0 =	sne.s32 s31, $0x28  }
.Ltmp4:
0x107: {  	_ = 	snop;
	(pc) =	sbr.rel @p0 .LBB2_2-.Ltmp4, $1  }
0x108: {  	_ =	sdelay $0x3  }
0x109: {  	s30 =	sadd.s32 $0x1, s30  }
0x10a: {  	p0 =	sne.s32 s30, s11  }
.Ltmp5:
0x10b: {  	s16 =	simm.s32 $0x0;
	s0 =	simm.s32 $0x12200;
	(pc) =	sbr.rel @p0 .LBB2_1-.Ltmp5, $4  }
0x10c: {  	[hbm4b:s10+s16] =	stream.linear.scatter [tilespmem:s0], [sflag:$0x5], $0x2800, $0x38;
	[tilespmem:$0x14B10] =	vst v63  }
0x10d: {  	_ =	swait.ge [sflag:s13], $0x2800  }
0x10e: {  	[sflag:s13] =	ssyncset.done $0x0  }
0x10f: {  	[sflag:s13] =	ssyncadd.s32 $0xFFFFD800  }
0x110: {  	_ =	sfence.sel $0x180000  }
0x111: {  	[bflag:$0x0] =	sbarrier.arrive $0xFFFF  }
0x112: {  	_ =	strace $0x9000004A  }
0x113: {  	s0 =	stileid.u32;
	[bflag:$0x2] =	sbarrier.arrive $0xFFFF  }
0x114: {  	p0 =	sne.s32 s0, $0x0;
	s0 =	rddreg [dreg:$0x2]  }
0x115: {  	s0 =	sadd.s32 @!p0 $0x100000, s0  }
0x116: {  	[sflag:s0] =	ssyncadd.tile.s32 @!p0 $0x1;
	_ =	shalt  }
.Lfunc_end2:
_tile_overlayer_lowered:
.L_overlay_start_2:
0x117: {  	(tag) =	ssettag $0x2  }
0x118: {  	s0 =	rddreg [dreg:$0x0];
	s2 =	stileid.u32  }
0x119: {  	s1 =	rddreg [dreg:$0x1];
	p0 =	sne.s32 s2, $0x0  }
0x11a: {  	s3 =	rddreg [dreg:$0x2];
	[bflag:$0x3] =	sbarrier.arrive $0xFFFF;
	s2 =	simm.s32 @!p0 $0x1C05  }
0x11b: {  	[timem:s3], [sflag:s2] =	dma.local @!p0 [hbm:s0], s1  }
0x11c: {  	s0 =	simm.s32 @!p0 $0x5  }
0x11d: {  	_ =	swait.ge @!p0 [sflag:s0], s1  }
0x11e: {  	s1 =	ssub.s32 @!p0 $0x0, s1;
	[sflag:s0] =	ssyncset.done @!p0 $0x0  }
0x11f: {  	[sflag:s0] =	ssyncadd.s32 @!p0 s1  }
0x120: {  	[bflag:$0x3] =	sbarrier.arrive $0xFFFF  }
0x121: {  	_ =	shalt  }

</sc_bundles>
